<compile_context>
chip_gen: v7x
topology: tpu7x:2x2x1
jax: 0.10.2.dev20260603
libtpu: 0.0.44.dev20260713+nightly
codegen_flags: <defaults>
</compile_context>

<pallas_src>
import functools

import jax
import jax.numpy as jnp
import numpy as np
from jax import lax
from jax.experimental import pallas as pl
from jax.experimental.pallas import tpu as pltpu
from jax.experimental.pallas import tpu_sc as plsc

N = 10000
E = 160000
D_IN = 256
D_HID = 256
D_OUT = 512
H = 128
NS = 16
CH = 80
EPT = E // NS
NCH = EPT // CH
NOUT = 10
STRIPE = N // NOUT
ZROWS = 40


@functools.cache
def _make_sc_aggregate(compute_deg: bool):
    mesh = plsc.VectorSubcoreMesh(core_axis_name="c", subcore_axis_name="s")
    out_type = [
        jax.ShapeDtypeStruct((N, H), jnp.float32),
        jax.ShapeDtypeStruct((N, H), jnp.float32),
    ]
    if compute_deg:
        out_type.append(jax.ShapeDtypeStruct((N,), jnp.float32))
    scratch = [
        pltpu.VMEM_SHARED((N, H), jnp.float32),
        pltpu.VMEM((EPT,), jnp.int32),
        pltpu.VMEM((EPT,), jnp.int32),
        pltpu.VMEM((CH, H), jnp.float32),
        pltpu.VMEM((CH, H), jnp.float32),
        pltpu.VMEM((ZROWS, H), jnp.float32),
        pltpu.SemaphoreType.DMA,
        pltpu.SemaphoreType.DMA,
        pltpu.SemaphoreType.DMA,
        pltpu.SemaphoreType.DMA,
    ]
    if compute_deg:
        scratch += [
            pltpu.VMEM_SHARED((N,), jnp.float32),
            pltpu.VMEM((128,), jnp.float32),
            pltpu.VMEM((STRIPE,), jnp.float32),
            pltpu.SemaphoreType.DMA,
            pltpu.SemaphoreType.DMA,
        ]

    def body(*refs):
        if compute_deg:
            (xlo, xhi, src, dst, agglo, agghi, deg,
             acc, sidx, didx, rows0, rows1,
             zbuf, gsem0, gsem1, ssem0, ssem1,
             dacc, ones, zdeg, dsem0, dsem1) = refs
        else:
            (xlo, xhi, src, dst, agglo, agghi,
             acc, sidx, didx, rows0, rows1,
             zbuf, gsem0, gsem1, ssem0, ssem1) = refs
        cid = lax.axis_index("c")
        sid = lax.axis_index("s")
        rows = (rows0, rows1)
        gsems = (gsem0, gsem1)
        ssems = (ssem0, ssem1)
        dsems = (dsem0, dsem1) if compute_deg else None
        z16 = jnp.zeros((16,), jnp.float32)

        tbase = pl.multiple_of(sid * EPT, 8)
        pltpu.sync_copy(src.at[pl.ds(tbase, EPT)], sidx)
        pltpu.sync_copy(dst.at[pl.ds(tbase, EPT)], didx)

        def _z_zbuf(k, carry):
            i = k // (H // 16)
            j = k - i * (H // 16)
            zbuf[i, pl.ds(j * 16, 16)] = z16
            return carry
        lax.fori_loop(0, ZROWS * (H // 16), _z_zbuf, 0)

        if compute_deg:
            def _z_zdeg(k, carry):
                zdeg[pl.ds(k * 16, 16)] = z16
                return carry
            lax.fori_loop(0, STRIPE // 16, _z_zdeg, 0)
            zdeg[pl.ds(STRIPE - 16, 16)] = z16
            one16 = jnp.ones((16,), jnp.float32)

            def _fill_ones(k, carry):
                ones[pl.ds(k * 16, 16)] = one16
                return carry
            lax.fori_loop(0, 128 // 16, _fill_ones, 0)

        @pl.when(sid < NOUT)
        def _():
            soff = pl.multiple_of(sid * STRIPE, 8)

            def _zacc(j, carry):
                off = pl.multiple_of(soff + j * ZROWS, 8)
                pltpu.async_copy(zbuf, acc.at[pl.ds(off, ZROWS)], gsem0)
                return carry
            lax.fori_loop(0, STRIPE // ZROWS, _zacc, 0)

            def _zdrain(j, carry):
                pltpu.make_async_copy(zbuf, acc.at[pl.ds(soff, ZROWS)],
                                      gsem0).wait()
                return carry
            lax.fori_loop(0, STRIPE // ZROWS, _zdrain, 0)
            if compute_deg:
                @pl.when(cid == 0)
                def _():
                    pltpu.sync_copy(zdeg, dacc.at[pl.ds(soff, STRIPE)])
        plsc.subcore_barrier()

        def _sl(ref, c):
            return ref.at[pl.ds(pl.multiple_of(c * CH, 8), CH)]

        def _wait_scatter(c, b):
            pltpu.make_async_copy(rows[b], acc.at[_sl(didx, c)],
                                  ssems[b]).wait()

        def _wait_deg(c, b):
            pltpu.make_async_copy(ones.at[pl.ds(0, CH)], dacc.at[_sl(didx, c)],
                                  dsems[b]).wait()

        def _start_gather(c, b):
            @pl.when(c >= 2)
            def _():
                _wait_scatter(c - 2, b)
                if compute_deg:
                    @pl.when(cid == 0)
                    def _():
                        _wait_deg(c - 2, b)

            @pl.when(cid == 0)
            def _():
                pltpu.async_copy(xlo.at[_sl(sidx, c)], rows[b], gsems[b])

            @pl.when(cid == 1)
            def _():
                pltpu.async_copy(xhi.at[_sl(sidx, c)], rows[b], gsems[b])

        def _wait_gather(c, b):
            pltpu.make_async_copy(xlo.at[_sl(sidx, c)], rows[b],
                                  gsems[b]).wait()

        def _finish_chunk(c, b):
            _wait_gather(c, b)
            pltpu.async_copy(rows[b], acc.at[_sl(didx, c)], ssems[b], add=True)
            if compute_deg:
                @pl.when(cid == 0)
                def _():
                    pltpu.async_copy(ones.at[pl.ds(0, CH)],
                                     dacc.at[_sl(didx, c)], dsems[b], add=True)

        _start_gather(0, 0)

        def _outer(i, carry):
            c = i * 2
            _start_gather(c + 1, 1)
            _finish_chunk(c, 0)
            _start_gather(c + 2, 0)
            _finish_chunk(c + 1, 1)
            return carry
        lax.fori_loop(0, NCH // 2, _outer, 0)
        _finish_chunk(NCH - 1, 0)
        _wait_scatter(NCH - 1, 0)
        _wait_scatter(NCH - 2, 1)
        if compute_deg:
            @pl.when(cid == 0)
            def _():
                _wait_deg(NCH - 1, 0)
                _wait_deg(NCH - 2, 1)
        plsc.subcore_barrier()

        @pl.when(sid < NOUT)
        def _():
            soff = pl.multiple_of(sid * STRIPE, 8)

            @pl.when(cid == 0)
            def _():
                pltpu.sync_copy(acc.at[pl.ds(soff, STRIPE)],
                                agglo.at[pl.ds(soff, STRIPE)])

            @pl.when(cid == 1)
            def _():
                pltpu.sync_copy(acc.at[pl.ds(soff, STRIPE)],
                                agghi.at[pl.ds(soff, STRIPE)])
            if compute_deg:
                @pl.when(cid == 0)
                def _():
                    pltpu.sync_copy(dacc.at[pl.ds(soff, STRIPE)], zdeg)
                    pltpu.sync_copy(zdeg, deg.at[pl.ds(soff, STRIPE)])

    return pl.kernel(body, out_type=tuple(out_type), mesh=mesh,
                     scratch_types=tuple(scratch))



_R1 = 1000
_R2 = 1000


def _l1_body(deg, agl, agh, xl, xh, wl, wr, g, bt, b1, hl, hh):
    r = 1.0 / jnp.maximum(deg[...], 1.0)
    aggm = jnp.concatenate([agl[...] * r, agh[...] * r], axis=1)
    xb = jnp.concatenate([xl[...], xh[...]], axis=1)
    acc = (jnp.dot(aggm, wl[...], preferred_element_type=jnp.float32)
           + jnp.dot(xb, wr[...], preferred_element_type=jnp.float32))
    gs = g[...] * np.float32(1.0 / np.sqrt(1.0 + 1e-5))
    h = jnp.maximum(acc * gs + (bt[...] + gs * b1[...]), 0.0)
    hl[...] = h[:, :H]
    hh[...] = h[:, H:]


def _l2_body(deg, agl, agh, hl, hh, wl, wr, b2, out):
    r = 1.0 / jnp.maximum(deg[...], 1.0)
    aggm = jnp.concatenate([agl[...] * r, agh[...] * r], axis=1)
    hb = jnp.concatenate([hl[...], hh[...]], axis=1)
    out[...] = (jnp.dot(aggm, wl[...], preferred_element_type=jnp.float32)
                + jnp.dot(hb, wr[...], preferred_element_type=jnp.float32)
                + b2[...])


def _row_spec(r, w):
    return pl.BlockSpec((r, w), lambda i: (i, 0))


def _full_spec(shape):
    return pl.BlockSpec(shape, lambda i: (0, 0))


_tc_layer1 = pl.pallas_call(
    _l1_body,
    grid=(N // _R1,),
    in_specs=[
        _row_spec(_R1, 1),
        _row_spec(_R1, H), _row_spec(_R1, H),
        _row_spec(_R1, H), _row_spec(_R1, H),
        _full_spec((D_IN, D_HID)), _full_spec((D_IN, D_HID)),
        _full_spec((1, D_HID)), _full_spec((1, D_HID)), _full_spec((1, D_HID)),
    ],
    out_specs=[_row_spec(_R1, H), _row_spec(_R1, H)],
    out_shape=[jax.ShapeDtypeStruct((N, H), jnp.float32)] * 2,
)

_tc_layer2 = pl.pallas_call(
    _l2_body,
    grid=(N // _R2,),
    in_specs=[
        _row_spec(_R2, 1),
        _row_spec(_R2, H), _row_spec(_R2, H),
        _row_spec(_R2, H), _row_spec(_R2, H),
        _full_spec((D_HID, D_OUT)), _full_spec((D_HID, D_OUT)),
        _full_spec((1, D_OUT)),
    ],
    out_specs=_row_spec(_R2, D_OUT),
    out_shape=jax.ShapeDtypeStruct((N, D_OUT), jnp.float32),
)


def kernel(x, edge_index, Wl1, Wr1, b1, gamma1, beta1, Wl2, Wr2, b2):
    src = edge_index[0]
    dst = edge_index[1]
    xlo = x[:, :H]
    xhi = x[:, H:]
    agg_lo, agg_hi, deg = _make_sc_aggregate(True)(xlo, xhi, src, dst)
    deg2d = deg.reshape(N, 1)
    h_lo, h_hi = _tc_layer1(deg2d, agg_lo, agg_hi, xlo, xhi, Wl1, Wr1,
                            gamma1.reshape(1, -1), beta1.reshape(1, -1),
                            b1.reshape(1, -1))
    a2_lo, a2_hi = _make_sc_aggregate(False)(h_lo, h_hi, src, dst)
    return _tc_layer2(deg2d, a2_lo, a2_hi, h_lo, h_hi, Wl2, Wr2,
                      b2.reshape(1, -1))

# --- scband reference (transcript-rebuilt; emitter-appended) ---
"""Pipeline reference for scband-graph-encoder-6090263625921 (READ-ONLY COPY).

The authoritative reference and input builder live on the scoring server;
editing this copy changes nothing except your own understanding.
"""

import jax, jax.numpy as jnp
import numpy as np

N = 10000
E = 160000
D_IN = 256
D_HID = 256
D_OUT = 512


def setup_inputs(seed: int = 0) -> dict:
    key = jax.random.key(seed)
    ks = jax.random.split(key, 12)
    x = jax.random.normal(ks[0], (N, D_IN), dtype=jnp.float32)
    edge_index = jax.random.randint(ks[1], (2, E), 0, N, dtype=jnp.int32)
    Wl1 = jax.random.normal(ks[2], (D_IN, D_HID), dtype=jnp.float32) / np.sqrt(D_IN)
    Wr1 = jax.random.normal(ks[3], (D_IN, D_HID), dtype=jnp.float32) / np.sqrt(D_IN)
    b1 = jnp.zeros((D_HID,), dtype=jnp.float32)
    gamma1 = jnp.ones((D_HID,), dtype=jnp.float32)
    beta1 = jnp.zeros((D_HID,), dtype=jnp.float32)
    Wl2 = jax.random.normal(ks[4], (D_HID, D_OUT), dtype=jnp.float32) / np.sqrt(D_HID)
    Wr2 = jax.random.normal(ks[5], (D_HID, D_OUT), dtype=jnp.float32) / np.sqrt(D_HID)
    b2 = jnp.zeros((D_OUT,), dtype=jnp.float32)
    return {"x": x, "edge_index": edge_index, "Wl1": Wl1, "Wr1": Wr1, "b1": b1,
            "gamma1": gamma1, "beta1": beta1, "Wl2": Wl2, "Wr2": Wr2, "b2": b2}


def _sage_conv(x, src, dst, Wl, Wr, b):
    # PyG-style SAGEConv: mean-aggregate neighbor features (src -> dst),
    # then out = lin_l(aggr) + lin_r(x) + bias
    msg = x[src]  # gather: [E, d]
    agg = jax.ops.segment_sum(msg, dst, num_segments=x.shape[0])
    cnt = jax.ops.segment_sum(jnp.ones((src.shape[0],), dtype=x.dtype), dst,
                              num_segments=x.shape[0])
    agg = agg / jnp.maximum(cnt, 1.0)[:, None]
    return agg @ Wl + x @ Wr + b


def reference(x, edge_index, Wl1, Wr1, b1, gamma1, beta1, Wl2, Wr2, b2):
    src = edge_index[0]
    dst = edge_index[1]
    h = _sage_conv(x, src, dst, Wl1, Wr1, b1)
    # BatchNorm1d in eval mode with default running stats (mean=0, var=1)
    h = gamma1 * h / jnp.sqrt(1.0 + 1e-5) + beta1
    h = jax.nn.relu(h)
    # dropout is identity in eval mode
    h = _sage_conv(h, src, dst, Wl2, Wr2, b2)
    return h

if __name__ == "__main__":
    import jax
    _d = setup_inputs()
    print(jax.jit(kernel)(*tuple(_d.values())))

</pallas_src>

<mosaic_0001>
#map = affine_map<(d0, d1) -> (0, 0)>
#map1 = affine_map<(d0, d1) -> (0)>
module attributes {stable_mosaic.version = 14 : i64} {
  func.func @body(%arg0: i32, %arg1: i32, %arg2: memref<10000x128xf32, #tpu.memory_space<hbm>>, %arg3: memref<10000x128xf32, #tpu.memory_space<hbm>>, %arg4: memref<160000xi32, #tpu.memory_space<hbm>>, %arg5: memref<160000xi32, #tpu.memory_space<hbm>>, %arg6: memref<10000x128xf32, #tpu.memory_space<hbm>>, %arg7: memref<10000x128xf32, #tpu.memory_space<hbm>>, %arg8: memref<10000x128xf32, #tpu.memory_space<vmem_shared>>, %arg9: memref<10000xi32, #tpu.memory_space<vmem>>, %arg10: memref<10000xi32, #tpu.memory_space<vmem>>, %arg11: memref<80x128xf32, #tpu.memory_space<vmem>>, %arg12: memref<80x128xf32, #tpu.memory_space<vmem>>, %arg13: memref<40x128xf32, #tpu.memory_space<vmem>>, %arg14: memref<!tpu.dma_semaphore, #tpu.memory_space<semaphore_mem>>, %arg15: memref<!tpu.dma_semaphore, #tpu.memory_space<semaphore_mem>>, %arg16: memref<!tpu.dma_semaphore, #tpu.memory_space<semaphore_mem>>, %arg17: memref<!tpu.dma_semaphore, #tpu.memory_space<semaphore_mem>>) attributes {dimension_semantics = [#tpu.dimension_semantics<core_parallel>, #tpu.dimension_semantics<subcore_parallel>], iteration_bounds = array<i64: 2, 16>, scalar_prefetch = 0 : i64, scratch_operands = 10 : i64, tpu.core_type = #tpu.core_type<sc_vector_subcore>, window_params = [{transform_indices = #map}, {transform_indices = #map}, {transform_indices = #map1}, {transform_indices = #map1}, {transform_indices = #map}, {transform_indices = #map}]} {
    %broadcast_in_dim3A = arith.constant 0.000000e+00 : f32
    %broadcast_in_dim3A_0 = vector.broadcast %broadcast_in_dim3A : f32 to vector<16xf32>
    %mul3A = arith.constant 10000 : i32
    %mul3A_1 = arith.muli %arg1, %mul3A : i32
    %multiple_of3A = tpu.assume_multiple %mul3A_1, 8 : i32
    "tpu.region"() ({
      %run_scoped3A = tpu.sem_alloc : memref<!tpu.dma_semaphore, #tpu.memory_space<semaphore_mem>>
      %dma_start3A_52 = tpu.memref_slice %arg4[%multiple_of3A] : memref<160000xi32, #tpu.memory_space<hbm>> -> memref<10000xi32, #tpu.memory_space<hbm>>
      %dma_start3A_53 = tpu.memref_slice %arg4[%multiple_of3A] : memref<160000xi32, #tpu.memory_space<hbm>> -> memref<10000xi32, #tpu.memory_space<hbm>>
      tpu.enqueue_dma source(%dma_start3A_53 : memref<10000xi32, #tpu.memory_space<hbm>>) target(%arg9 : memref<10000xi32, #tpu.memory_space<vmem>>) target_semaphore(%run_scoped3A : memref<!tpu.dma_semaphore, #tpu.memory_space<semaphore_mem>>)
      %dma_wait3A_54 = tpu.memref_slice %arg4[%multiple_of3A] : memref<160000xi32, #tpu.memory_space<hbm>> -> memref<10000xi32, #tpu.memory_space<hbm>>
      %dma_wait3A_55 = tpu.memref_slice %arg4[%multiple_of3A] : memref<160000xi32, #tpu.memory_space<hbm>> -> memref<10000xi32, #tpu.memory_space<hbm>>
      tpu.wait_dma2 semaphore(%run_scoped3A : memref<!tpu.dma_semaphore, #tpu.memory_space<semaphore_mem>>) src(%dma_wait3A_55 : memref<10000xi32, #tpu.memory_space<hbm>>) dst(%arg9 : memref<10000xi32, #tpu.memory_space<vmem>>)
      tpu.yield
    }) : () -> ()
    "tpu.region"() ({
      %run_scoped3A = tpu.sem_alloc : memref<!tpu.dma_semaphore, #tpu.memory_space<semaphore_mem>>
      %dma_start3A_52 = tpu.memref_slice %arg5[%multiple_of3A] : memref<160000xi32, #tpu.memory_space<hbm>> -> memref<10000xi32, #tpu.memory_space<hbm>>
      %dma_start3A_53 = tpu.memref_slice %arg5[%multiple_of3A] : memref<160000xi32, #tpu.memory_space<hbm>> -> memref<10000xi32, #tpu.memory_space<hbm>>
      tpu.enqueue_dma source(%dma_start3A_53 : memref<10000xi32, #tpu.memory_space<hbm>>) target(%arg10 : memref<10000xi32, #tpu.memory_space<vmem>>) target_semaphore(%run_scoped3A : memref<!tpu.dma_semaphore, #tpu.memory_space<semaphore_mem>>)
      %dma_wait3A_54 = tpu.memref_slice %arg5[%multiple_of3A] : memref<160000xi32, #tpu.memory_space<hbm>> -> memref<10000xi32, #tpu.memory_space<hbm>>
      %dma_wait3A_55 = tpu.memref_slice %arg5[%multiple_of3A] : memref<160000xi32, #tpu.memory_space<hbm>> -> memref<10000xi32, #tpu.memory_space<hbm>>
      tpu.wait_dma2 semaphore(%run_scoped3A : memref<!tpu.dma_semaphore, #tpu.memory_space<semaphore_mem>>) src(%dma_wait3A_55 : memref<10000xi32, #tpu.memory_space<hbm>>) dst(%arg10 : memref<10000xi32, #tpu.memory_space<vmem>>)
      tpu.yield
    }) : () -> ()
    %scan3A = arith.constant 0 : i32
    %scan3A_2 = arith.constant 0 : i32
    %scan3A_3 = arith.constant 320 : i32
    %scan3A_4 = arith.addi %scan3A_2, %scan3A_3 : i32
    %scan3A_5 = arith.constant 1 : i32
    scf.for %scan3A_52 = %scan3A_2 to %scan3A_4 step %scan3A_5  : i32 {
      %jit3A = arith.constant 8 : i32
      %div3A = arith.divsi %scan3A_52, %jit3A : i32
      %sign3A = arith.constant 0 : i32
      %sign3A_53 = arith.cmpi sgt, %scan3A_52, %sign3A : i32
      %sign3A_54 = arith.extui %sign3A_53 : i1 to i32
      %sign3A_55 = arith.constant 0 : i32
      %sign3A_56 = arith.cmpi slt, %scan3A_52, %sign3A_55 : i32
      %sign3A_57 = arith.extui %sign3A_56 : i1 to i32
      %sign3A_58 = arith.subi %sign3A_54, %sign3A_57 : i32
      %sign3A_59 = arith.constant 0 : i32
      %sign3A_60 = arith.cmpi sgt, %jit3A, %sign3A_59 : i32
      %sign3A_61 = arith.extui %sign3A_60 : i1 to i32
      %sign3A_62 = arith.constant 0 : i32
      %sign3A_63 = arith.cmpi slt, %jit3A, %sign3A_62 : i32
      %sign3A_64 = arith.extui %sign3A_63 : i1 to i32
      %sign3A_65 = arith.subi %sign3A_61, %sign3A_64 : i32
      %ne3A = arith.cmpi ne, %sign3A_58, %sign3A_65 : i32
      %rem3A = arith.remsi %scan3A_52, %jit3A : i32
      %ne3A_66 = arith.constant 0 : i32
      %ne3A_67 = arith.cmpi ne, %rem3A, %ne3A_66 : i32
      %and3A = arith.andi %ne3A, %ne3A_67 : i1
      %sub3A = arith.constant 1 : i32
      %sub3A_68 = arith.subi %div3A, %sub3A : i32
      %select_n3A = arith.select %and3A, %sub3A_68, %div3A : i32
      %mul3A_69 = arith.constant 8 : i32
      %mul3A_70 = arith.muli %select_n3A, %mul3A_69 : i32
      %sub3A_71 = arith.subi %scan3A_52, %mul3A_70 : i32
      %mul3A_72 = arith.constant 16 : i32
      %mul3A_73 = arith.muli %sub3A_71, %mul3A_72 : i32
      %swap3A = arith.index_cast %select_n3A : i32 to index
      %swap3A_74 = arith.index_cast %mul3A_73 : i32 to index
      %swap3A_75 = tpu.vector_load %arg13[%swap3A, %swap3A_74] {strides = array<i32>} : memref<40x128xf32, #tpu.memory_space<vmem>>, vector<1x16xf32>,
      %swap3A_76 = vector.shape_cast %swap3A_75 : vector<1x16xf32> to vector<16xf32>
      %swap3A_77 = vector.shape_cast %broadcast_in_dim3A_0 : vector<16xf32> to vector<1x16xf32>
      tpu.vector_store %arg13[%swap3A, %swap3A_74], %swap3A_77 {strides = array<i32>} : memref<40x128xf32, #tpu.memory_space<vmem>>, vector<1x16xf32>,
    }
    %scan3A_6 = arith.constant 320 : i32
    %lt3A = arith.constant 10 : i32
    %lt3A_7 = arith.cmpi slt, %arg1, %lt3A : i32
    %convert_element_type3A = arith.extui %lt3A_7 : i1 to i32
    %cond3A = arith.constant 0 : i32
    %cond3A_8 = arith.cmpi ne, %convert_element_type3A, %cond3A : i32
    scf.if %cond3A_8 {
      %mul3A_52 = arith.constant 1000 : i32
      %mul3A_53 = arith.muli %arg1, %mul3A_52 : i32
      %multiple_of3A_54 = tpu.assume_multiple %mul3A_53, 8 : i32
      %scan3A_55 = arith.constant 0 : i32
      %scan3A_56 = arith.constant 0 : i32
      %scan3A_57 = arith.constant 25 : i32
      %scan3A_58 = arith.addi %scan3A_56, %scan3A_57 : i32
      %scan3A_59 = arith.constant 1 : i32
      scf.for %scan3A_67 = %scan3A_56 to %scan3A_58 step %scan3A_59  : i32 {
        %mul3A_68 = arith.constant 40 : i32
        %mul3A_69 = arith.muli %scan3A_67, %mul3A_68 : i32
        %add3A = arith.addi %multiple_of3A_54, %mul3A_69 : i32
        %multiple_of3A_70 = tpu.assume_multiple %add3A, 8 : i32
        %dma_start3A_71 = arith.constant 0 : i32
        %dma_start3A_72 = tpu.memref_slice %arg8[%multiple_of3A_70, %dma_start3A_71] : memref<10000x128xf32, #tpu.memory_space<vmem_shared>> -> memref<40x128xf32, #tpu.memory_space<vmem_shared>>
        %dma_start3A_73 = arith.constant 0 : i32
        %dma_start3A_74 = tpu.memref_slice %arg8[%multiple_of3A_70, %dma_start3A_73] : memref<10000x128xf32, #tpu.memory_space<vmem_shared>> -> memref<40x128xf32, #tpu.memory_space<vmem_shared>>
        tpu.enqueue_dma source(%arg13 : memref<40x128xf32, #tpu.memory_space<vmem>>) target(%dma_start3A_74 : memref<40x128xf32, #tpu.memory_space<vmem_shared>>) target_semaphore(%arg14 : memref<!tpu.dma_semaphore, #tpu.memory_space<semaphore_mem>>)
      }
      %scan3A_60 = arith.constant 25 : i32
      %scan3A_61 = arith.constant 0 : i32
      %scan3A_62 = arith.constant 0 : i32
      %scan3A_63 = arith.constant 25 : i32
      %scan3A_64 = arith.addi %scan3A_62, %scan3A_63 : i32
      %scan3A_65 = arith.constant 1 : i32
      scf.for %scan3A_67 = %scan3A_62 to %scan3A_64 step %scan3A_65  : i32 {
        %dma_wait3A_68 = arith.constant 0 : i32
        %dma_wait3A_69 = tpu.memref_slice %arg8[%multiple_of3A_54, %dma_wait3A_68] : memref<10000x128xf32, #tpu.memory_space<vmem_shared>> -> memref<40x128xf32, #tpu.memory_space<vmem_shared>>
        %dma_wait3A_70 = arith.constant 0 : i32
        %dma_wait3A_71 = tpu.memref_slice %arg8[%multiple_of3A_54, %dma_wait3A_70] : memref<10000x128xf32, #tpu.memory_space<vmem_shared>> -> memref<40x128xf32, #tpu.memory_space<vmem_shared>>
        tpu.wait_dma2 semaphore(%arg14 : memref<!tpu.dma_semaphore, #tpu.memory_space<semaphore_mem>>) src(%arg13 : memref<40x128xf32, #tpu.memory_space<vmem>>) dst(%dma_wait3A_71 : memref<40x128xf32, #tpu.memory_space<vmem_shared>>)
      }
      %scan3A_66 = arith.constant 25 : i32
    } else {
    }
    %barrier3A = arith.constant 0 : index
    tpu.barrier barrier_id(%barrier3A)
    %eq3A = arith.constant 0 : i32
    %eq3A_9 = arith.cmpi eq, %arg0, %eq3A : i32
    %convert_element_type3A_10 = arith.extui %eq3A_9 : i1 to i32
    %cond3A_11 = arith.constant 0 : i32
    %cond3A_12 = arith.cmpi ne, %convert_element_type3A_10, %cond3A_11 : i32
    scf.if %cond3A_12 {
      %multiple_of3A_52 = arith.constant 0 : i32
      %multiple_of3A_53 = tpu.assume_multiple %multiple_of3A_52, 8 : i32
      %dma_start3A_54 = tpu.memref_slice %arg9[%multiple_of3A_53] : memref<10000xi32, #tpu.memory_space<vmem>> -> memref<80xi32, #tpu.memory_space<vmem>>
      %dma_start3A_55 = arith.constant 0 : i32
      %dma_start3A_56 = arith.constant 0 : i32
      %dma_start3A_57 = tpu.memref_slice %arg2[%dma_start3A_55, %dma_start3A_56] : memref<10000x128xf32, #tpu.memory_space<hbm>> -> memref<10000x128xf32, #tpu.memory_space<hbm>>
      tpu.enqueue_indirect_dma source(%dma_start3A_57 : memref<10000x128xf32, #tpu.memory_space<hbm>>) target(%arg11 : memref<80x128xf32, #tpu.memory_space<vmem>>) offsets(%dma_start3A_54 : memref<80xi32, #tpu.memory_space<vmem>>) semaphore(%arg14 : memref<!tpu.dma_semaphore, #tpu.memory_space<semaphore_mem>>)
    } else {
    }
    %eq3A_13 = arith.constant 1 : i32
    %eq3A_14 = arith.cmpi eq, %arg0, %eq3A_13 : i32
    %convert_element_type3A_15 = arith.extui %eq3A_14 : i1 to i32
    %cond3A_16 = arith.constant 0 : i32
    %cond3A_17 = arith.cmpi ne, %convert_element_type3A_15, %cond3A_16 : i32
    scf.if %cond3A_17 {
      %multiple_of3A_52 = arith.constant 0 : i32
      %multiple_of3A_53 = tpu.assume_multiple %multiple_of3A_52, 8 : i32
      %dma_start3A_54 = tpu.memref_slice %arg9[%multiple_of3A_53] : memref<10000xi32, #tpu.memory_space<vmem>> -> memref<80xi32, #tpu.memory_space<vmem>>
      %dma_start3A_55 = arith.constant 0 : i32
      %dma_start3A_56 = arith.constant 0 : i32
      %dma_start3A_57 = tpu.memref_slice %arg3[%dma_start3A_55, %dma_start3A_56] : memref<10000x128xf32, #tpu.memory_space<hbm>> -> memref<10000x128xf32, #tpu.memory_space<hbm>>
      tpu.enqueue_indirect_dma source(%dma_start3A_57 : memref<10000x128xf32, #tpu.memory_space<hbm>>) target(%arg11 : memref<80x128xf32, #tpu.memory_space<vmem>>) offsets(%dma_start3A_54 : memref<80xi32, #tpu.memory_space<vmem>>) semaphore(%arg14 : memref<!tpu.dma_semaphore, #tpu.memory_space<semaphore_mem>>)
    } else {
    }
    %scan3A_18 = arith.constant 0 : i32
    %scan3A_19 = arith.constant 0 : i32
    %scan3A_20 = arith.constant 62 : i32
    %scan3A_21 = arith.addi %scan3A_19, %scan3A_20 : i32
    %scan3A_22 = arith.constant 1 : i32
    scf.for %scan3A_52 = %scan3A_19 to %scan3A_21 step %scan3A_22  : i32 {
      %mul3A_53 = arith.constant 2 : i32
      %mul3A_54 = arith.muli %scan3A_52, %mul3A_53 : i32
      %add3A = arith.constant 1 : i32
      %add3A_55 = arith.addi %mul3A_54, %add3A : i32
      %ge3A = arith.constant 2 : i32
      %ge3A_56 = arith.cmpi sge, %add3A_55, %ge3A : i32
      %convert_element_type3A_57 = arith.extui %ge3A_56 : i1 to i32
      %cond3A_58 = arith.constant 0 : i32
      %cond3A_59 = arith.cmpi ne, %convert_element_type3A_57, %cond3A_58 : i32
      scf.if %cond3A_59 {
        %sub3A = arith.constant 2 : i32
        %sub3A_117 = arith.subi %add3A_55, %sub3A : i32
        %mul3A_118 = arith.constant 80 : i32
        %mul3A_119 = arith.muli %sub3A_117, %mul3A_118 : i32
        %multiple_of3A_120 = tpu.assume_multiple %mul3A_119, 8 : i32
        %dma_wait3A_121 = tpu.memref_slice %arg10[%multiple_of3A_120] : memref<10000xi32, #tpu.memory_space<vmem>> -> memref<80xi32, #tpu.memory_space<vmem>>
        %dma_wait3A_122 = arith.constant 0 : i32
        %dma_wait3A_123 = arith.constant 0 : i32
        %dma_wait3A_124 = tpu.memref_slice %arg8[%dma_wait3A_122, %dma_wait3A_123] : memref<10000x128xf32, #tpu.memory_space<vmem_shared>> -> memref<10000x128xf32, #tpu.memory_space<vmem_shared>>
        tpu.wait_indirect_dma semaphore(%arg17 : memref<!tpu.dma_semaphore, #tpu.memory_space<semaphore_mem>>) src(%arg12 : memref<80x128xf32, #tpu.memory_space<vmem>>) dst(%dma_wait3A_124 : memref<10000x128xf32, #tpu.memory_space<vmem_shared>>)
      } else {
      }
      %eq3A_60 = arith.constant 0 : i32
      %eq3A_61 = arith.cmpi eq, %arg0, %eq3A_60 : i32
      %convert_element_type3A_62 = arith.extui %eq3A_61 : i1 to i32
      %cond3A_63 = arith.constant 0 : i32
      %cond3A_64 = arith.cmpi ne, %convert_element_type3A_62, %cond3A_63 : i32
      scf.if %cond3A_64 {
        %mul3A_117 = arith.constant 80 : i32
        %mul3A_118 = arith.muli %add3A_55, %mul3A_117 : i32
        %multiple_of3A_119 = tpu.assume_multiple %mul3A_118, 8 : i32
        %dma_start3A_120 = tpu.memref_slice %arg9[%multiple_of3A_119] : memref<10000xi32, #tpu.memory_space<vmem>> -> memref<80xi32, #tpu.memory_space<vmem>>
        %dma_start3A_121 = arith.constant 0 : i32
        %dma_start3A_122 = arith.constant 0 : i32
        %dma_start3A_123 = tpu.memref_slice %arg2[%dma_start3A_121, %dma_start3A_122] : memref<10000x128xf32, #tpu.memory_space<hbm>> -> memref<10000x128xf32, #tpu.memory_space<hbm>>
        tpu.enqueue_indirect_dma source(%dma_start3A_123 : memref<10000x128xf32, #tpu.memory_space<hbm>>) target(%arg12 : memref<80x128xf32, #tpu.memory_space<vmem>>) offsets(%dma_start3A_120 : memref<80xi32, #tpu.memory_space<vmem>>) semaphore(%arg15 : memref<!tpu.dma_semaphore, #tpu.memory_space<semaphore_mem>>)
      } else {
      }
      %eq3A_65 = arith.constant 1 : i32
      %eq3A_66 = arith.cmpi eq, %arg0, %eq3A_65 : i32
      %convert_element_type3A_67 = arith.extui %eq3A_66 : i1 to i32
      %cond3A_68 = arith.constant 0 : i32
      %cond3A_69 = arith.cmpi ne, %convert_element_type3A_67, %cond3A_68 : i32
      scf.if %cond3A_69 {
        %mul3A_117 = arith.constant 80 : i32
        %mul3A_118 = arith.muli %add3A_55, %mul3A_117 : i32
        %multiple_of3A_119 = tpu.assume_multiple %mul3A_118, 8 : i32
        %dma_start3A_120 = tpu.memref_slice %arg9[%multiple_of3A_119] : memref<10000xi32, #tpu.memory_space<vmem>> -> memref<80xi32, #tpu.memory_space<vmem>>
        %dma_start3A_121 = arith.constant 0 : i32
        %dma_start3A_122 = arith.constant 0 : i32
        %dma_start3A_123 = tpu.memref_slice %arg3[%dma_start3A_121, %dma_start3A_122] : memref<10000x128xf32, #tpu.memory_space<hbm>> -> memref<10000x128xf32, #tpu.memory_space<hbm>>
        tpu.enqueue_indirect_dma source(%dma_start3A_123 : memref<10000x128xf32, #tpu.memory_space<hbm>>) target(%arg12 : memref<80x128xf32, #tpu.memory_space<vmem>>) offsets(%dma_start3A_120 : memref<80xi32, #tpu.memory_space<vmem>>) semaphore(%arg15 : memref<!tpu.dma_semaphore, #tpu.memory_space<semaphore_mem>>)
      } else {
      }
      %mul3A_70 = arith.constant 80 : i32
      %mul3A_71 = arith.muli %mul3A_54, %mul3A_70 : i32
      %multiple_of3A_72 = tpu.assume_multiple %mul3A_71, 8 : i32
      %dma_wait3A_73 = tpu.memref_slice %arg9[%multiple_of3A_72] : memref<10000xi32, #tpu.memory_space<vmem>> -> memref<80xi32, #tpu.memory_space<vmem>>
      %dma_wait3A_74 = arith.constant 0 : i32
      %dma_wait3A_75 = arith.constant 0 : i32
      %dma_wait3A_76 = tpu.memref_slice %arg2[%dma_wait3A_74, %dma_wait3A_75] : memref<10000x128xf32, #tpu.memory_space<hbm>> -> memref<10000x128xf32, #tpu.memory_space<hbm>>
      tpu.wait_indirect_dma semaphore(%arg14 : memref<!tpu.dma_semaphore, #tpu.memory_space<semaphore_mem>>) src(%dma_wait3A_76 : memref<10000x128xf32, #tpu.memory_space<hbm>>) dst(%arg11 : memref<80x128xf32, #tpu.memory_space<vmem>>)
      %mul3A_77 = arith.constant 80 : i32
      %mul3A_78 = arith.muli %mul3A_54, %mul3A_77 : i32
      %multiple_of3A_79 = tpu.assume_multiple %mul3A_78, 8 : i32
      %dma_start3A_80 = tpu.memref_slice %arg10[%multiple_of3A_79] : memref<10000xi32, #tpu.memory_space<vmem>> -> memref<80xi32, #tpu.memory_space<vmem>>
      %dma_start3A_81 = arith.constant 0 : i32
      %dma_start3A_82 = arith.constant 0 : i32
      %dma_start3A_83 = tpu.memref_slice %arg8[%dma_start3A_81, %dma_start3A_82] : memref<10000x128xf32, #tpu.memory_space<vmem_shared>> -> memref<10000x128xf32, #tpu.memory_space<vmem_shared>>
      tpu.enqueue_indirect_dma source(%arg11 : memref<80x128xf32, #tpu.memory_space<vmem>>) target(%dma_start3A_83 : memref<10000x128xf32, #tpu.memory_space<vmem_shared>>) offsets(%dma_start3A_80 : memref<80xi32, #tpu.memory_space<vmem>>) semaphore(%arg16 : memref<!tpu.dma_semaphore, #tpu.memory_space<semaphore_mem>>) {add = true}
      %add3A_84 = arith.constant 2 : i32
      %add3A_85 = arith.addi %mul3A_54, %add3A_84 : i32
      %ge3A_86 = arith.constant 2 : i32
      %ge3A_87 = arith.cmpi sge, %add3A_85, %ge3A_86 : i32
      %convert_element_type3A_88 = arith.extui %ge3A_87 : i1 to i32
      %cond3A_89 = arith.constant 0 : i32
      %cond3A_90 = arith.cmpi ne, %convert_element_type3A_88, %cond3A_89 : i32
      scf.if %cond3A_90 {
        %sub3A = arith.constant 2 : i32
        %sub3A_117 = arith.subi %add3A_85, %sub3A : i32
        %mul3A_118 = arith.constant 80 : i32
        %mul3A_119 = arith.muli %sub3A_117, %mul3A_118 : i32
        %multiple_of3A_120 = tpu.assume_multiple %mul3A_119, 8 : i32
        %dma_wait3A_121 = tpu.memref_slice %arg10[%multiple_of3A_120] : memref<10000xi32, #tpu.memory_space<vmem>> -> memref<80xi32, #tpu.memory_space<vmem>>
        %dma_wait3A_122 = arith.constant 0 : i32
        %dma_wait3A_123 = arith.constant 0 : i32
        %dma_wait3A_124 = tpu.memref_slice %arg8[%dma_wait3A_122, %dma_wait3A_123] : memref<10000x128xf32, #tpu.memory_space<vmem_shared>> -> memref<10000x128xf32, #tpu.memory_space<vmem_shared>>
        tpu.wait_indirect_dma semaphore(%arg16 : memref<!tpu.dma_semaphore, #tpu.memory_space<semaphore_mem>>) src(%arg11 : memref<80x128xf32, #tpu.memory_space<vmem>>) dst(%dma_wait3A_124 : memref<10000x128xf32, #tpu.memory_space<vmem_shared>>)
      } else {
      }
      %eq3A_91 = arith.constant 0 : i32
      %eq3A_92 = arith.cmpi eq, %arg0, %eq3A_91 : i32
      %convert_element_type3A_93 = arith.extui %eq3A_92 : i1 to i32
      %cond3A_94 = arith.constant 0 : i32
      %cond3A_95 = arith.cmpi ne, %convert_element_type3A_93, %cond3A_94 : i32
      scf.if %cond3A_95 {
        %mul3A_117 = arith.constant 80 : i32
        %mul3A_118 = arith.muli %add3A_85, %mul3A_117 : i32
        %multiple_of3A_119 = tpu.assume_multiple %mul3A_118, 8 : i32
        %dma_start3A_120 = tpu.memref_slice %arg9[%multiple_of3A_119] : memref<10000xi32, #tpu.memory_space<vmem>> -> memref<80xi32, #tpu.memory_space<vmem>>
        %dma_start3A_121 = arith.constant 0 : i32
        %dma_start3A_122 = arith.constant 0 : i32
        %dma_start3A_123 = tpu.memref_slice %arg2[%dma_start3A_121, %dma_start3A_122] : memref<10000x128xf32, #tpu.memory_space<hbm>> -> memref<10000x128xf32, #tpu.memory_space<hbm>>
        tpu.enqueue_indirect_dma source(%dma_start3A_123 : memref<10000x128xf32, #tpu.memory_space<hbm>>) target(%arg11 : memref<80x128xf32, #tpu.memory_space<vmem>>) offsets(%dma_start3A_120 : memref<80xi32, #tpu.memory_space<vmem>>) semaphore(%arg14 : memref<!tpu.dma_semaphore, #tpu.memory_space<semaphore_mem>>)
      } else {
      }
      %eq3A_96 = arith.constant 1 : i32
      %eq3A_97 = arith.cmpi eq, %arg0, %eq3A_96 : i32
      %convert_element_type3A_98 = arith.extui %eq3A_97 : i1 to i32
      %cond3A_99 = arith.constant 0 : i32
      %cond3A_100 = arith.cmpi ne, %convert_element_type3A_98, %cond3A_99 : i32
      scf.if %cond3A_100 {
        %mul3A_117 = arith.constant 80 : i32
        %mul3A_118 = arith.muli %add3A_85, %mul3A_117 : i32
        %multiple_of3A_119 = tpu.assume_multiple %mul3A_118, 8 : i32
        %dma_start3A_120 = tpu.memref_slice %arg9[%multiple_of3A_119] : memref<10000xi32, #tpu.memory_space<vmem>> -> memref<80xi32, #tpu.memory_space<vmem>>
        %dma_start3A_121 = arith.constant 0 : i32
        %dma_start3A_122 = arith.constant 0 : i32
        %dma_start3A_123 = tpu.memref_slice %arg3[%dma_start3A_121, %dma_start3A_122] : memref<10000x128xf32, #tpu.memory_space<hbm>> -> memref<10000x128xf32, #tpu.memory_space<hbm>>
        tpu.enqueue_indirect_dma source(%dma_start3A_123 : memref<10000x128xf32, #tpu.memory_space<hbm>>) target(%arg11 : memref<80x128xf32, #tpu.memory_space<vmem>>) offsets(%dma_start3A_120 : memref<80xi32, #tpu.memory_space<vmem>>) semaphore(%arg14 : memref<!tpu.dma_semaphore, #tpu.memory_space<semaphore_mem>>)
      } else {
      }
      %add3A_101 = arith.constant 1 : i32
      %add3A_102 = arith.addi %mul3A_54, %add3A_101 : i32
      %mul3A_103 = arith.constant 80 : i32
      %mul3A_104 = arith.muli %add3A_102, %mul3A_103 : i32
      %multiple_of3A_105 = tpu.assume_multiple %mul3A_104, 8 : i32
      %dma_wait3A_106 = tpu.memref_slice %arg9[%multiple_of3A_105] : memref<10000xi32, #tpu.memory_space<vmem>> -> memref<80xi32, #tpu.memory_space<vmem>>
      %dma_wait3A_107 = arith.constant 0 : i32
      %dma_wait3A_108 = arith.constant 0 : i32
      %dma_wait3A_109 = tpu.memref_slice %arg2[%dma_wait3A_107, %dma_wait3A_108] : memref<10000x128xf32, #tpu.memory_space<hbm>> -> memref<10000x128xf32, #tpu.memory_space<hbm>>
      tpu.wait_indirect_dma semaphore(%arg15 : memref<!tpu.dma_semaphore, #tpu.memory_space<semaphore_mem>>) src(%dma_wait3A_109 : memref<10000x128xf32, #tpu.memory_space<hbm>>) dst(%arg12 : memref<80x128xf32, #tpu.memory_space<vmem>>)
      %mul3A_110 = arith.constant 80 : i32
      %mul3A_111 = arith.muli %add3A_102, %mul3A_110 : i32
      %multiple_of3A_112 = tpu.assume_multiple %mul3A_111, 8 : i32
      %dma_start3A_113 = tpu.memref_slice %arg10[%multiple_of3A_112] : memref<10000xi32, #tpu.memory_space<vmem>> -> memref<80xi32, #tpu.memory_space<vmem>>
      %dma_start3A_114 = arith.constant 0 : i32
      %dma_start3A_115 = arith.constant 0 : i32
      %dma_start3A_116 = tpu.memref_slice %arg8[%dma_start3A_114, %dma_start3A_115] : memref<10000x128xf32, #tpu.memory_space<vmem_shared>> -> memref<10000x128xf32, #tpu.memory_space<vmem_shared>>
      tpu.enqueue_indirect_dma source(%arg12 : memref<80x128xf32, #tpu.memory_space<vmem>>) target(%dma_start3A_116 : memref<10000x128xf32, #tpu.memory_space<vmem_shared>>) offsets(%dma_start3A_113 : memref<80xi32, #tpu.memory_space<vmem>>) semaphore(%arg17 : memref<!tpu.dma_semaphore, #tpu.memory_space<semaphore_mem>>) {add = true}
    }
    %scan3A_23 = arith.constant 62 : i32
    %multiple_of3A_24 = arith.constant 9920 : i32
    %multiple_of3A_25 = tpu.assume_multiple %multiple_of3A_24, 8 : i32
    %dma_wait3A = tpu.memref_slice %arg9[%multiple_of3A_25] : memref<10000xi32, #tpu.memory_space<vmem>> -> memref<80xi32, #tpu.memory_space<vmem>>
    %dma_wait3A_26 = arith.constant 0 : i32
    %dma_wait3A_27 = arith.constant 0 : i32
    %dma_wait3A_28 = tpu.memref_slice %arg2[%dma_wait3A_26, %dma_wait3A_27] : memref<10000x128xf32, #tpu.memory_space<hbm>> -> memref<10000x128xf32, #tpu.memory_space<hbm>>
    tpu.wait_indirect_dma semaphore(%arg14 : memref<!tpu.dma_semaphore, #tpu.memory_space<semaphore_mem>>) src(%dma_wait3A_28 : memref<10000x128xf32, #tpu.memory_space<hbm>>) dst(%arg11 : memref<80x128xf32, #tpu.memory_space<vmem>>)
    %multiple_of3A_29 = arith.constant 9920 : i32
    %multiple_of3A_30 = tpu.assume_multiple %multiple_of3A_29, 8 : i32
    %dma_start3A = tpu.memref_slice %arg10[%multiple_of3A_30] : memref<10000xi32, #tpu.memory_space<vmem>> -> memref<80xi32, #tpu.memory_space<vmem>>
    %dma_start3A_31 = arith.constant 0 : i32
    %dma_start3A_32 = arith.constant 0 : i32
    %dma_start3A_33 = tpu.memref_slice %arg8[%dma_start3A_31, %dma_start3A_32] : memref<10000x128xf32, #tpu.memory_space<vmem_shared>> -> memref<10000x128xf32, #tpu.memory_space<vmem_shared>>
    tpu.enqueue_indirect_dma source(%arg11 : memref<80x128xf32, #tpu.memory_space<vmem>>) target(%dma_start3A_33 : memref<10000x128xf32, #tpu.memory_space<vmem_shared>>) offsets(%dma_start3A : memref<80xi32, #tpu.memory_space<vmem>>) semaphore(%arg16 : memref<!tpu.dma_semaphore, #tpu.memory_space<semaphore_mem>>) {add = true}
    %multiple_of3A_34 = arith.constant 9920 : i32
    %multiple_of3A_35 = tpu.assume_multiple %multiple_of3A_34, 8 : i32
    %dma_wait3A_36 = tpu.memref_slice %arg10[%multiple_of3A_35] : memref<10000xi32, #tpu.memory_space<vmem>> -> memref<80xi32, #tpu.memory_space<vmem>>
    %dma_wait3A_37 = arith.constant 0 : i32
    %dma_wait3A_38 = arith.constant 0 : i32
    %dma_wait3A_39 = tpu.memref_slice %arg8[%dma_wait3A_37, %dma_wait3A_38] : memref<10000x128xf32, #tpu.memory_space<vmem_shared>> -> memref<10000x128xf32, #tpu.memory_space<vmem_shared>>
    tpu.wait_indirect_dma semaphore(%arg16 : memref<!tpu.dma_semaphore, #tpu.memory_space<semaphore_mem>>) src(%arg11 : memref<80x128xf32, #tpu.memory_space<vmem>>) dst(%dma_wait3A_39 : memref<10000x128xf32, #tpu.memory_space<vmem_shared>>)
    %multiple_of3A_40 = arith.constant 9840 : i32
    %multiple_of3A_41 = tpu.assume_multiple %multiple_of3A_40, 8 : i32
    %dma_wait3A_42 = tpu.memref_slice %arg10[%multiple_of3A_41] : memref<10000xi32, #tpu.memory_space<vmem>> -> memref<80xi32, #tpu.memory_space<vmem>>
    %dma_wait3A_43 = arith.constant 0 : i32
    %dma_wait3A_44 = arith.constant 0 : i32
    %dma_wait3A_45 = tpu.memref_slice %arg8[%dma_wait3A_43, %dma_wait3A_44] : memref<10000x128xf32, #tpu.memory_space<vmem_shared>> -> memref<10000x128xf32, #tpu.memory_space<vmem_shared>>
    tpu.wait_indirect_dma semaphore(%arg17 : memref<!tpu.dma_semaphore, #tpu.memory_space<semaphore_mem>>) src(%arg12 : memref<80x128xf32, #tpu.memory_space<vmem>>) dst(%dma_wait3A_45 : memref<10000x128xf32, #tpu.memory_space<vmem_shared>>)
    %barrier3A_46 = arith.constant 0 : index
    tpu.barrier barrier_id(%barrier3A_46)
    %lt3A_47 = arith.constant 10 : i32
    %lt3A_48 = arith.cmpi slt, %arg1, %lt3A_47 : i32
    %convert_element_type3A_49 = arith.extui %lt3A_48 : i1 to i32
    %cond3A_50 = arith.constant 0 : i32
    %cond3A_51 = arith.cmpi ne, %convert_element_type3A_49, %cond3A_50 : i32
    scf.if %cond3A_51 {
      %mul3A_52 = arith.constant 1000 : i32
      %mul3A_53 = arith.muli %arg1, %mul3A_52 : i32
      %multiple_of3A_54 = tpu.assume_multiple %mul3A_53, 8 : i32
      %eq3A_55 = arith.constant 0 : i32
      %eq3A_56 = arith.cmpi eq, %arg0, %eq3A_55 : i32
      %convert_element_type3A_57 = arith.extui %eq3A_56 : i1 to i32
      %cond3A_58 = arith.constant 0 : i32
      %cond3A_59 = arith.cmpi ne, %convert_element_type3A_57, %cond3A_58 : i32
      scf.if %cond3A_59 {
        "tpu.region"() ({
          %run_scoped3A = tpu.sem_alloc : memref<!tpu.dma_semaphore, #tpu.memory_space<semaphore_mem>>
          %dma_start3A_65 = arith.constant 0 : i32
          %dma_start3A_66 = tpu.memref_slice %arg6[%multiple_of3A_54, %dma_start3A_65] : memref<10000x128xf32, #tpu.memory_space<hbm>> -> memref<1000x128xf32, #tpu.memory_space<hbm>>
          %dma_start3A_67 = arith.constant 0 : i32
          %dma_start3A_68 = tpu.memref_slice %arg8[%multiple_of3A_54, %dma_start3A_67] : memref<10000x128xf32, #tpu.memory_space<vmem_shared>> -> memref<1000x128xf32, #tpu.memory_space<vmem_shared>>
          tpu.enqueue_dma source(%dma_start3A_68 : memref<1000x128xf32, #tpu.memory_space<vmem_shared>>) target(%dma_start3A_66 : memref<1000x128xf32, #tpu.memory_space<hbm>>) target_semaphore(%run_scoped3A : memref<!tpu.dma_semaphore, #tpu.memory_space<semaphore_mem>>)
          %dma_wait3A_69 = arith.constant 0 : i32
          %dma_wait3A_70 = tpu.memref_slice %arg6[%multiple_of3A_54, %dma_wait3A_69] : memref<10000x128xf32, #tpu.memory_space<hbm>> -> memref<1000x128xf32, #tpu.memory_space<hbm>>
          %dma_wait3A_71 = arith.constant 0 : i32
          %dma_wait3A_72 = tpu.memref_slice %arg8[%multiple_of3A_54, %dma_wait3A_71] : memref<10000x128xf32, #tpu.memory_space<vmem_shared>> -> memref<1000x128xf32, #tpu.memory_space<vmem_shared>>
          tpu.wait_dma2 semaphore(%run_scoped3A : memref<!tpu.dma_semaphore, #tpu.memory_space<semaphore_mem>>) src(%dma_wait3A_72 : memref<1000x128xf32, #tpu.memory_space<vmem_shared>>) dst(%dma_wait3A_70 : memref<1000x128xf32, #tpu.memory_space<hbm>>)
          tpu.yield
        }) : () -> ()
      } else {
      }
      %eq3A_60 = arith.constant 1 : i32
      %eq3A_61 = arith.cmpi eq, %arg0, %eq3A_60 : i32
      %convert_element_type3A_62 = arith.extui %eq3A_61 : i1 to i32
      %cond3A_63 = arith.constant 0 : i32
      %cond3A_64 = arith.cmpi ne, %convert_element_type3A_62, %cond3A_63 : i32
      scf.if %cond3A_64 {
        "tpu.region"() ({
          %run_scoped3A = tpu.sem_alloc : memref<!tpu.dma_semaphore, #tpu.memory_space<semaphore_mem>>
          %dma_start3A_65 = arith.constant 0 : i32
          %dma_start3A_66 = tpu.memref_slice %arg7[%multiple_of3A_54, %dma_start3A_65] : memref<10000x128xf32, #tpu.memory_space<hbm>> -> memref<1000x128xf32, #tpu.memory_space<hbm>>
          %dma_start3A_67 = arith.constant 0 : i32
          %dma_start3A_68 = tpu.memref_slice %arg8[%multiple_of3A_54, %dma_start3A_67] : memref<10000x128xf32, #tpu.memory_space<vmem_shared>> -> memref<1000x128xf32, #tpu.memory_space<vmem_shared>>
          tpu.enqueue_dma source(%dma_start3A_68 : memref<1000x128xf32, #tpu.memory_space<vmem_shared>>) target(%dma_start3A_66 : memref<1000x128xf32, #tpu.memory_space<hbm>>) target_semaphore(%run_scoped3A : memref<!tpu.dma_semaphore, #tpu.memory_space<semaphore_mem>>)
          %dma_wait3A_69 = arith.constant 0 : i32
          %dma_wait3A_70 = tpu.memref_slice %arg7[%multiple_of3A_54, %dma_wait3A_69] : memref<10000x128xf32, #tpu.memory_space<hbm>> -> memref<1000x128xf32, #tpu.memory_space<hbm>>
          %dma_wait3A_71 = arith.constant 0 : i32
          %dma_wait3A_72 = tpu.memref_slice %arg8[%multiple_of3A_54, %dma_wait3A_71] : memref<10000x128xf32, #tpu.memory_space<vmem_shared>> -> memref<1000x128xf32, #tpu.memory_space<vmem_shared>>
          tpu.wait_dma2 semaphore(%run_scoped3A : memref<!tpu.dma_semaphore, #tpu.memory_space<semaphore_mem>>) src(%dma_wait3A_72 : memref<1000x128xf32, #tpu.memory_space<vmem_shared>>) dst(%dma_wait3A_70 : memref<1000x128xf32, #tpu.memory_space<hbm>>)
          tpu.yield
        }) : () -> ()
      } else {
      }
    } else {
    }
    return
  }
}

#map = affine_map<(d0, d1) -> (0, 0)>
#map1 = affine_map<(d0, d1) -> (0)>
module attributes {stable_mosaic.version = 14 : i64} {
  func.func @body(%arg0: i32, %arg1: i32, %arg2: memref<10000x128xf32, #tpu.memory_space<hbm>>, %arg3: memref<10000x128xf32, #tpu.memory_space<hbm>>, %arg4: memref<160000xi32, #tpu.memory_space<hbm>>, %arg5: memref<160000xi32, #tpu.memory_space<hbm>>, %arg6: memref<10000x128xf32, #tpu.memory_space<hbm>>, %arg7: memref<10000x128xf32, #tpu.memory_space<hbm>>, %arg8: memref<10000xf32, #tpu.memory_space<hbm>>, %arg9: memref<10000x128xf32, #tpu.memory_space<vmem_shared>>, %arg10: memref<10000xi32, #tpu.memory_space<vmem>>, %arg11: memref<10000xi32, #tpu.memory_space<vmem>>, %arg12: memref<80x128xf32, #tpu.memory_space<vmem>>, %arg13: memref<80x128xf32, #tpu.memory_space<vmem>>, %arg14: memref<40x128xf32, #tpu.memory_space<vmem>>, %arg15: memref<!tpu.dma_semaphore, #tpu.memory_space<semaphore_mem>>, %arg16: memref<!tpu.dma_semaphore, #tpu.memory_space<semaphore_mem>>, %arg17: memref<!tpu.dma_semaphore, #tpu.memory_space<semaphore_mem>>, %arg18: memref<!tpu.dma_semaphore, #tpu.memory_space<semaphore_mem>>, %arg19: memref<10000xf32, #tpu.memory_space<vmem_shared>>, %arg20: memref<128xf32, #tpu.memory_space<vmem>>, %arg21: memref<1000xf32, #tpu.memory_space<vmem>>, %arg22: memref<!tpu.dma_semaphore, #tpu.memory_space<semaphore_mem>>, %arg23: memref<!tpu.dma_semaphore, #tpu.memory_space<semaphore_mem>>) attributes {dimension_semantics = [#tpu.dimension_semantics<core_parallel>, #tpu.dimension_semantics<subcore_parallel>], iteration_bounds = array<i64: 2, 16>, scalar_prefetch = 0 : i64, scratch_operands = 15 : i64, tpu.core_type = #tpu.core_type<sc_vector_subcore>, window_params = [{transform_indices = #map}, {transform_indices = #map}, {transform_indices = #map1}, {transform_indices = #map1}, {transform_indices = #map}, {transform_indices = #map}, {transform_indices = #map1}]} {
    %broadcast_in_dim3A = arith.constant 0.000000e+00 : f32
    %broadcast_in_dim3A_0 = vector.broadcast %broadcast_in_dim3A : f32 to vector<16xf32>
    %mul3A = arith.constant 10000 : i32
    %mul3A_1 = arith.muli %arg1, %mul3A : i32
    %multiple_of3A = tpu.assume_multiple %mul3A_1, 8 : i32
    "tpu.region"() ({
      %run_scoped3A = tpu.sem_alloc : memref<!tpu.dma_semaphore, #tpu.memory_space<semaphore_mem>>
      %dma_start3A_79 = tpu.memref_slice %arg4[%multiple_of3A] : memref<160000xi32, #tpu.memory_space<hbm>> -> memref<10000xi32, #tpu.memory_space<hbm>>
      %dma_start3A_80 = tpu.memref_slice %arg4[%multiple_of3A] : memref<160000xi32, #tpu.memory_space<hbm>> -> memref<10000xi32, #tpu.memory_space<hbm>>
      tpu.enqueue_dma source(%dma_start3A_80 : memref<10000xi32, #tpu.memory_space<hbm>>) target(%arg10 : memref<10000xi32, #tpu.memory_space<vmem>>) target_semaphore(%run_scoped3A : memref<!tpu.dma_semaphore, #tpu.memory_space<semaphore_mem>>)
      %dma_wait3A_81 = tpu.memref_slice %arg4[%multiple_of3A] : memref<160000xi32, #tpu.memory_space<hbm>> -> memref<10000xi32, #tpu.memory_space<hbm>>
      %dma_wait3A_82 = tpu.memref_slice %arg4[%multiple_of3A] : memref<160000xi32, #tpu.memory_space<hbm>> -> memref<10000xi32, #tpu.memory_space<hbm>>
      tpu.wait_dma2 semaphore(%run_scoped3A : memref<!tpu.dma_semaphore, #tpu.memory_space<semaphore_mem>>) src(%dma_wait3A_82 : memref<10000xi32, #tpu.memory_space<hbm>>) dst(%arg10 : memref<10000xi32, #tpu.memory_space<vmem>>)
      tpu.yield
    }) : () -> ()
    "tpu.region"() ({
      %run_scoped3A = tpu.sem_alloc : memref<!tpu.dma_semaphore, #tpu.memory_space<semaphore_mem>>
      %dma_start3A_79 = tpu.memref_slice %arg5[%multiple_of3A] : memref<160000xi32, #tpu.memory_space<hbm>> -> memref<10000xi32, #tpu.memory_space<hbm>>
      %dma_start3A_80 = tpu.memref_slice %arg5[%multiple_of3A] : memref<160000xi32, #tpu.memory_space<hbm>> -> memref<10000xi32, #tpu.memory_space<hbm>>
      tpu.enqueue_dma source(%dma_start3A_80 : memref<10000xi32, #tpu.memory_space<hbm>>) target(%arg11 : memref<10000xi32, #tpu.memory_space<vmem>>) target_semaphore(%run_scoped3A : memref<!tpu.dma_semaphore, #tpu.memory_space<semaphore_mem>>)
      %dma_wait3A_81 = tpu.memref_slice %arg5[%multiple_of3A] : memref<160000xi32, #tpu.memory_space<hbm>> -> memref<10000xi32, #tpu.memory_space<hbm>>
      %dma_wait3A_82 = tpu.memref_slice %arg5[%multiple_of3A] : memref<160000xi32, #tpu.memory_space<hbm>> -> memref<10000xi32, #tpu.memory_space<hbm>>
      tpu.wait_dma2 semaphore(%run_scoped3A : memref<!tpu.dma_semaphore, #tpu.memory_space<semaphore_mem>>) src(%dma_wait3A_82 : memref<10000xi32, #tpu.memory_space<hbm>>) dst(%arg11 : memref<10000xi32, #tpu.memory_space<vmem>>)
      tpu.yield
    }) : () -> ()
    %scan3A = arith.constant 0 : i32
    %scan3A_2 = arith.constant 0 : i32
    %scan3A_3 = arith.constant 320 : i32
    %scan3A_4 = arith.addi %scan3A_2, %scan3A_3 : i32
    %scan3A_5 = arith.constant 1 : i32
    scf.for %scan3A_79 = %scan3A_2 to %scan3A_4 step %scan3A_5  : i32 {
      %jit3A = arith.constant 8 : i32
      %div3A = arith.divsi %scan3A_79, %jit3A : i32
      %sign3A = arith.constant 0 : i32
      %sign3A_80 = arith.cmpi sgt, %scan3A_79, %sign3A : i32
      %sign3A_81 = arith.extui %sign3A_80 : i1 to i32
      %sign3A_82 = arith.constant 0 : i32
      %sign3A_83 = arith.cmpi slt, %scan3A_79, %sign3A_82 : i32
      %sign3A_84 = arith.extui %sign3A_83 : i1 to i32
      %sign3A_85 = arith.subi %sign3A_81, %sign3A_84 : i32
      %sign3A_86 = arith.constant 0 : i32
      %sign3A_87 = arith.cmpi sgt, %jit3A, %sign3A_86 : i32
      %sign3A_88 = arith.extui %sign3A_87 : i1 to i32
      %sign3A_89 = arith.constant 0 : i32
      %sign3A_90 = arith.cmpi slt, %jit3A, %sign3A_89 : i32
      %sign3A_91 = arith.extui %sign3A_90 : i1 to i32
      %sign3A_92 = arith.subi %sign3A_88, %sign3A_91 : i32
      %ne3A = arith.cmpi ne, %sign3A_85, %sign3A_92 : i32
      %rem3A = arith.remsi %scan3A_79, %jit3A : i32
      %ne3A_93 = arith.constant 0 : i32
      %ne3A_94 = arith.cmpi ne, %rem3A, %ne3A_93 : i32
      %and3A = arith.andi %ne3A, %ne3A_94 : i1
      %sub3A = arith.constant 1 : i32
      %sub3A_95 = arith.subi %div3A, %sub3A : i32
      %select_n3A = arith.select %and3A, %sub3A_95, %div3A : i32
      %mul3A_96 = arith.constant 8 : i32
      %mul3A_97 = arith.muli %select_n3A, %mul3A_96 : i32
      %sub3A_98 = arith.subi %scan3A_79, %mul3A_97 : i32
      %mul3A_99 = arith.constant 16 : i32
      %mul3A_100 = arith.muli %sub3A_98, %mul3A_99 : i32
      %swap3A_101 = arith.index_cast %select_n3A : i32 to index
      %swap3A_102 = arith.index_cast %mul3A_100 : i32 to index
      %swap3A_103 = tpu.vector_load %arg14[%swap3A_101, %swap3A_102] {strides = array<i32>} : memref<40x128xf32, #tpu.memory_space<vmem>>, vector<1x16xf32>,
      %swap3A_104 = vector.shape_cast %swap3A_103 : vector<1x16xf32> to vector<16xf32>
      %swap3A_105 = vector.shape_cast %broadcast_in_dim3A_0 : vector<16xf32> to vector<1x16xf32>
      tpu.vector_store %arg14[%swap3A_101, %swap3A_102], %swap3A_105 {strides = array<i32>} : memref<40x128xf32, #tpu.memory_space<vmem>>, vector<1x16xf32>,
    }
    %scan3A_6 = arith.constant 320 : i32
    %scan3A_7 = arith.constant 0 : i32
    %scan3A_8 = arith.constant 0 : i32
    %scan3A_9 = arith.constant 62 : i32
    %scan3A_10 = arith.addi %scan3A_8, %scan3A_9 : i32
    %scan3A_11 = arith.constant 1 : i32
    scf.for %scan3A_79 = %scan3A_8 to %scan3A_10 step %scan3A_11  : i32 {
      %mul3A_80 = arith.constant 16 : i32
      %mul3A_81 = arith.muli %scan3A_79, %mul3A_80 : i32
      %swap3A_82 = arith.index_cast %mul3A_81 : i32 to index
      %swap3A_83 = tpu.vector_load %arg21[%swap3A_82] {strides = array<i32>} : memref<1000xf32, #tpu.memory_space<vmem>>, vector<16xf32>,
      %swap3A_84 = vector.shape_cast %swap3A_83 : vector<16xf32> to vector<16xf32>
      %swap3A_85 = vector.shape_cast %broadcast_in_dim3A_0 : vector<16xf32> to vector<16xf32>
      tpu.vector_store %arg21[%swap3A_82], %swap3A_85 {strides = array<i32>} : memref<1000xf32, #tpu.memory_space<vmem>>, vector<16xf32>,
    }
    %scan3A_12 = arith.constant 62 : i32
    %swap3A = arith.constant 984 : index
    %swap3A_13 = tpu.vector_load %arg21[%swap3A] {strides = array<i32>} : memref<1000xf32, #tpu.memory_space<vmem>>, vector<16xf32>,
    %swap3A_14 = vector.shape_cast %swap3A_13 : vector<16xf32> to vector<16xf32>
    %swap3A_15 = vector.shape_cast %broadcast_in_dim3A_0 : vector<16xf32> to vector<16xf32>
    tpu.vector_store %arg21[%swap3A], %swap3A_15 {strides = array<i32>} : memref<1000xf32, #tpu.memory_space<vmem>>, vector<16xf32>,
    %broadcast_in_dim3A_16 = arith.constant 1.000000e+00 : f32
    %broadcast_in_dim3A_17 = vector.broadcast %broadcast_in_dim3A_16 : f32 to vector<16xf32>
    %scan3A_18 = arith.constant 0 : i32
    %scan3A_19 = arith.constant 0 : i32
    %scan3A_20 = arith.constant 8 : i32
    %scan3A_21 = arith.addi %scan3A_19, %scan3A_20 : i32
    %scan3A_22 = arith.constant 1 : i32
    scf.for %scan3A_79 = %scan3A_19 to %scan3A_21 step %scan3A_22  : i32 {
      %mul3A_80 = arith.constant 16 : i32
      %mul3A_81 = arith.muli %scan3A_79, %mul3A_80 : i32
      %swap3A_82 = arith.index_cast %mul3A_81 : i32 to index
      %swap3A_83 = tpu.vector_load %arg20[%swap3A_82] {strides = array<i32>} : memref<128xf32, #tpu.memory_space<vmem>>, vector<16xf32>,
      %swap3A_84 = vector.shape_cast %swap3A_83 : vector<16xf32> to vector<16xf32>
      %swap3A_85 = vector.shape_cast %broadcast_in_dim3A_17 : vector<16xf32> to vector<16xf32>
      tpu.vector_store %arg20[%swap3A_82], %swap3A_85 {strides = array<i32>} : memref<128xf32, #tpu.memory_space<vmem>>, vector<16xf32>,
    }
    %scan3A_23 = arith.constant 8 : i32
    %lt3A = arith.constant 10 : i32
    %lt3A_24 = arith.cmpi slt, %arg1, %lt3A : i32
    %convert_element_type3A = arith.extui %lt3A_24 : i1 to i32
    %cond3A = arith.constant 0 : i32
    %cond3A_25 = arith.cmpi ne, %convert_element_type3A, %cond3A : i32
    scf.if %cond3A_25 {
      %mul3A_79 = arith.constant 1000 : i32
      %mul3A_80 = arith.muli %arg1, %mul3A_79 : i32
      %multiple_of3A_81 = tpu.assume_multiple %mul3A_80, 8 : i32
      %scan3A_82 = arith.constant 0 : i32
      %scan3A_83 = arith.constant 0 : i32
      %scan3A_84 = arith.constant 25 : i32
      %scan3A_85 = arith.addi %scan3A_83, %scan3A_84 : i32
      %scan3A_86 = arith.constant 1 : i32
      scf.for %scan3A_99 = %scan3A_83 to %scan3A_85 step %scan3A_86  : i32 {
        %mul3A_100 = arith.constant 40 : i32
        %mul3A_101 = arith.muli %scan3A_99, %mul3A_100 : i32
        %add3A = arith.addi %multiple_of3A_81, %mul3A_101 : i32
        %multiple_of3A_102 = tpu.assume_multiple %add3A, 8 : i32
        %dma_start3A_103 = arith.constant 0 : i32
        %dma_start3A_104 = tpu.memref_slice %arg9[%multiple_of3A_102, %dma_start3A_103] : memref<10000x128xf32, #tpu.memory_space<vmem_shared>> -> memref<40x128xf32, #tpu.memory_space<vmem_shared>>
        %dma_start3A_105 = arith.constant 0 : i32
        %dma_start3A_106 = tpu.memref_slice %arg9[%multiple_of3A_102, %dma_start3A_105] : memref<10000x128xf32, #tpu.memory_space<vmem_shared>> -> memref<40x128xf32, #tpu.memory_space<vmem_shared>>
        tpu.enqueue_dma source(%arg14 : memref<40x128xf32, #tpu.memory_space<vmem>>) target(%dma_start3A_106 : memref<40x128xf32, #tpu.memory_space<vmem_shared>>) target_semaphore(%arg15 : memref<!tpu.dma_semaphore, #tpu.memory_space<semaphore_mem>>)
      }
      %scan3A_87 = arith.constant 25 : i32
      %scan3A_88 = arith.constant 0 : i32
      %scan3A_89 = arith.constant 0 : i32
      %scan3A_90 = arith.constant 25 : i32
      %scan3A_91 = arith.addi %scan3A_89, %scan3A_90 : i32
      %scan3A_92 = arith.constant 1 : i32
      scf.for %scan3A_99 = %scan3A_89 to %scan3A_91 step %scan3A_92  : i32 {
        %dma_wait3A_100 = arith.constant 0 : i32
        %dma_wait3A_101 = tpu.memref_slice %arg9[%multiple_of3A_81, %dma_wait3A_100] : memref<10000x128xf32, #tpu.memory_space<vmem_shared>> -> memref<40x128xf32, #tpu.memory_space<vmem_shared>>
        %dma_wait3A_102 = arith.constant 0 : i32
        %dma_wait3A_103 = tpu.memref_slice %arg9[%multiple_of3A_81, %dma_wait3A_102] : memref<10000x128xf32, #tpu.memory_space<vmem_shared>> -> memref<40x128xf32, #tpu.memory_space<vmem_shared>>
        tpu.wait_dma2 semaphore(%arg15 : memref<!tpu.dma_semaphore, #tpu.memory_space<semaphore_mem>>) src(%arg14 : memref<40x128xf32, #tpu.memory_space<vmem>>) dst(%dma_wait3A_103 : memref<40x128xf32, #tpu.memory_space<vmem_shared>>)
      }
      %scan3A_93 = arith.constant 25 : i32
      %eq3A_94 = arith.constant 0 : i32
      %eq3A_95 = arith.cmpi eq, %arg0, %eq3A_94 : i32
      %convert_element_type3A_96 = arith.extui %eq3A_95 : i1 to i32
      %cond3A_97 = arith.constant 0 : i32
      %cond3A_98 = arith.cmpi ne, %convert_element_type3A_96, %cond3A_97 : i32
      scf.if %cond3A_98 {
        "tpu.region"() ({
          %run_scoped3A = tpu.sem_alloc : memref<!tpu.dma_semaphore, #tpu.memory_space<semaphore_mem>>
          %dma_start3A_99 = tpu.memref_slice %arg19[%multiple_of3A_81] : memref<10000xf32, #tpu.memory_space<vmem_shared>> -> memref<1000xf32, #tpu.memory_space<vmem_shared>>
          %dma_start3A_100 = tpu.memref_slice %arg19[%multiple_of3A_81] : memref<10000xf32, #tpu.memory_space<vmem_shared>> -> memref<1000xf32, #tpu.memory_space<vmem_shared>>
          tpu.enqueue_dma source(%arg21 : memref<1000xf32, #tpu.memory_space<vmem>>) target(%dma_start3A_100 : memref<1000xf32, #tpu.memory_space<vmem_shared>>) target_semaphore(%run_scoped3A : memref<!tpu.dma_semaphore, #tpu.memory_space<semaphore_mem>>)
          %dma_wait3A_101 = tpu.memref_slice %arg19[%multiple_of3A_81] : memref<10000xf32, #tpu.memory_space<vmem_shared>> -> memref<1000xf32, #tpu.memory_space<vmem_shared>>
          %dma_wait3A_102 = tpu.memref_slice %arg19[%multiple_of3A_81] : memref<10000xf32, #tpu.memory_space<vmem_shared>> -> memref<1000xf32, #tpu.memory_space<vmem_shared>>
          tpu.wait_dma2 semaphore(%run_scoped3A : memref<!tpu.dma_semaphore, #tpu.memory_space<semaphore_mem>>) src(%arg21 : memref<1000xf32, #tpu.memory_space<vmem>>) dst(%dma_wait3A_102 : memref<1000xf32, #tpu.memory_space<vmem_shared>>)
          tpu.yield
        }) : () -> ()
      } else {
      }
    } else {
    }
    %barrier3A = arith.constant 0 : index
    tpu.barrier barrier_id(%barrier3A)
    %eq3A = arith.constant 0 : i32
    %eq3A_26 = arith.cmpi eq, %arg0, %eq3A : i32
    %convert_element_type3A_27 = arith.extui %eq3A_26 : i1 to i32
    %cond3A_28 = arith.constant 0 : i32
    %cond3A_29 = arith.cmpi ne, %convert_element_type3A_27, %cond3A_28 : i32
    scf.if %cond3A_29 {
      %multiple_of3A_79 = arith.constant 0 : i32
      %multiple_of3A_80 = tpu.assume_multiple %multiple_of3A_79, 8 : i32
      %dma_start3A_81 = tpu.memref_slice %arg10[%multiple_of3A_80] : memref<10000xi32, #tpu.memory_space<vmem>> -> memref<80xi32, #tpu.memory_space<vmem>>
      %dma_start3A_82 = arith.constant 0 : i32
      %dma_start3A_83 = arith.constant 0 : i32
      %dma_start3A_84 = tpu.memref_slice %arg2[%dma_start3A_82, %dma_start3A_83] : memref<10000x128xf32, #tpu.memory_space<hbm>> -> memref<10000x128xf32, #tpu.memory_space<hbm>>
      tpu.enqueue_indirect_dma source(%dma_start3A_84 : memref<10000x128xf32, #tpu.memory_space<hbm>>) target(%arg12 : memref<80x128xf32, #tpu.memory_space<vmem>>) offsets(%dma_start3A_81 : memref<80xi32, #tpu.memory_space<vmem>>) semaphore(%arg15 : memref<!tpu.dma_semaphore, #tpu.memory_space<semaphore_mem>>)
    } else {
    }
    %eq3A_30 = arith.constant 1 : i32
    %eq3A_31 = arith.cmpi eq, %arg0, %eq3A_30 : i32
    %convert_element_type3A_32 = arith.extui %eq3A_31 : i1 to i32
    %cond3A_33 = arith.constant 0 : i32
    %cond3A_34 = arith.cmpi ne, %convert_element_type3A_32, %cond3A_33 : i32
    scf.if %cond3A_34 {
      %multiple_of3A_79 = arith.constant 0 : i32
      %multiple_of3A_80 = tpu.assume_multiple %multiple_of3A_79, 8 : i32
      %dma_start3A_81 = tpu.memref_slice %arg10[%multiple_of3A_80] : memref<10000xi32, #tpu.memory_space<vmem>> -> memref<80xi32, #tpu.memory_space<vmem>>
      %dma_start3A_82 = arith.constant 0 : i32
      %dma_start3A_83 = arith.constant 0 : i32
      %dma_start3A_84 = tpu.memref_slice %arg3[%dma_start3A_82, %dma_start3A_83] : memref<10000x128xf32, #tpu.memory_space<hbm>> -> memref<10000x128xf32, #tpu.memory_space<hbm>>
      tpu.enqueue_indirect_dma source(%dma_start3A_84 : memref<10000x128xf32, #tpu.memory_space<hbm>>) target(%arg12 : memref<80x128xf32, #tpu.memory_space<vmem>>) offsets(%dma_start3A_81 : memref<80xi32, #tpu.memory_space<vmem>>) semaphore(%arg15 : memref<!tpu.dma_semaphore, #tpu.memory_space<semaphore_mem>>)
    } else {
    }
    %scan3A_35 = arith.constant 0 : i32
    %scan3A_36 = arith.constant 0 : i32
    %scan3A_37 = arith.constant 62 : i32
    %scan3A_38 = arith.addi %scan3A_36, %scan3A_37 : i32
    %scan3A_39 = arith.constant 1 : i32
    scf.for %scan3A_79 = %scan3A_36 to %scan3A_38 step %scan3A_39  : i32 {
      %mul3A_80 = arith.constant 2 : i32
      %mul3A_81 = arith.muli %scan3A_79, %mul3A_80 : i32
      %add3A = arith.constant 1 : i32
      %add3A_82 = arith.addi %mul3A_81, %add3A : i32
      %ge3A = arith.constant 2 : i32
      %ge3A_83 = arith.cmpi sge, %add3A_82, %ge3A : i32
      %convert_element_type3A_84 = arith.extui %ge3A_83 : i1 to i32
      %cond3A_85 = arith.constant 0 : i32
      %cond3A_86 = arith.cmpi ne, %convert_element_type3A_84, %cond3A_85 : i32
      scf.if %cond3A_86 {
        %sub3A = arith.constant 2 : i32
        %sub3A_154 = arith.subi %add3A_82, %sub3A : i32
        %mul3A_155 = arith.constant 80 : i32
        %mul3A_156 = arith.muli %sub3A_154, %mul3A_155 : i32
        %multiple_of3A_157 = tpu.assume_multiple %mul3A_156, 8 : i32
        %dma_wait3A_158 = tpu.memref_slice %arg11[%multiple_of3A_157] : memref<10000xi32, #tpu.memory_space<vmem>> -> memref<80xi32, #tpu.memory_space<vmem>>
        %dma_wait3A_159 = arith.constant 0 : i32
        %dma_wait3A_160 = arith.constant 0 : i32
        %dma_wait3A_161 = tpu.memref_slice %arg9[%dma_wait3A_159, %dma_wait3A_160] : memref<10000x128xf32, #tpu.memory_space<vmem_shared>> -> memref<10000x128xf32, #tpu.memory_space<vmem_shared>>
        tpu.wait_indirect_dma semaphore(%arg18 : memref<!tpu.dma_semaphore, #tpu.memory_space<semaphore_mem>>) src(%arg13 : memref<80x128xf32, #tpu.memory_space<vmem>>) dst(%dma_wait3A_161 : memref<10000x128xf32, #tpu.memory_space<vmem_shared>>)
        %eq3A_162 = arith.constant 0 : i32
        %eq3A_163 = arith.cmpi eq, %arg0, %eq3A_162 : i32
        %convert_element_type3A_164 = arith.extui %eq3A_163 : i1 to i32
        %cond3A_165 = arith.constant 0 : i32
        %cond3A_166 = arith.cmpi ne, %convert_element_type3A_164, %cond3A_165 : i32
        scf.if %cond3A_166 {
          %sub3A_167 = arith.constant 2 : i32
          %sub3A_168 = arith.subi %add3A_82, %sub3A_167 : i32
          %mul3A_169 = arith.constant 80 : i32
          %mul3A_170 = arith.muli %sub3A_168, %mul3A_169 : i32
          %multiple_of3A_171 = tpu.assume_multiple %mul3A_170, 8 : i32
          %dma_wait3A_172 = arith.constant 0 : i32
          %dma_wait3A_173 = tpu.memref_slice %arg20[%dma_wait3A_172] : memref<128xf32, #tpu.memory_space<vmem>> -> memref<80xf32, #tpu.memory_space<vmem>>
          %dma_wait3A_174 = tpu.memref_slice %arg11[%multiple_of3A_171] : memref<10000xi32, #tpu.memory_space<vmem>> -> memref<80xi32, #tpu.memory_space<vmem>>
          %dma_wait3A_175 = arith.constant 0 : i32
          %dma_wait3A_176 = tpu.memref_slice %arg19[%dma_wait3A_175] : memref<10000xf32, #tpu.memory_space<vmem_shared>> -> memref<10000xf32, #tpu.memory_space<vmem_shared>>
          tpu.wait_indirect_dma semaphore(%arg23 : memref<!tpu.dma_semaphore, #tpu.memory_space<semaphore_mem>>) src(%dma_wait3A_173 : memref<80xf32, #tpu.memory_space<vmem>>) dst(%dma_wait3A_176 : memref<10000xf32, #tpu.memory_space<vmem_shared>>)
        } else {
        }
      } else {
      }
      %eq3A_87 = arith.constant 0 : i32
      %eq3A_88 = arith.cmpi eq, %arg0, %eq3A_87 : i32
      %convert_element_type3A_89 = arith.extui %eq3A_88 : i1 to i32
      %cond3A_90 = arith.constant 0 : i32
      %cond3A_91 = arith.cmpi ne, %convert_element_type3A_89, %cond3A_90 : i32
      scf.if %cond3A_91 {
        %mul3A_154 = arith.constant 80 : i32
        %mul3A_155 = arith.muli %add3A_82, %mul3A_154 : i32
        %multiple_of3A_156 = tpu.assume_multiple %mul3A_155, 8 : i32
        %dma_start3A_157 = tpu.memref_slice %arg10[%multiple_of3A_156] : memref<10000xi32, #tpu.memory_space<vmem>> -> memref<80xi32, #tpu.memory_space<vmem>>
        %dma_start3A_158 = arith.constant 0 : i32
        %dma_start3A_159 = arith.constant 0 : i32
        %dma_start3A_160 = tpu.memref_slice %arg2[%dma_start3A_158, %dma_start3A_159] : memref<10000x128xf32, #tpu.memory_space<hbm>> -> memref<10000x128xf32, #tpu.memory_space<hbm>>
        tpu.enqueue_indirect_dma source(%dma_start3A_160 : memref<10000x128xf32, #tpu.memory_space<hbm>>) target(%arg13 : memref<80x128xf32, #tpu.memory_space<vmem>>) offsets(%dma_start3A_157 : memref<80xi32, #tpu.memory_space<vmem>>) semaphore(%arg16 : memref<!tpu.dma_semaphore, #tpu.memory_space<semaphore_mem>>)
      } else {
      }
      %eq3A_92 = arith.constant 1 : i32
      %eq3A_93 = arith.cmpi eq, %arg0, %eq3A_92 : i32
      %convert_element_type3A_94 = arith.extui %eq3A_93 : i1 to i32
      %cond3A_95 = arith.constant 0 : i32
      %cond3A_96 = arith.cmpi ne, %convert_element_type3A_94, %cond3A_95 : i32
      scf.if %cond3A_96 {
        %mul3A_154 = arith.constant 80 : i32
        %mul3A_155 = arith.muli %add3A_82, %mul3A_154 : i32
        %multiple_of3A_156 = tpu.assume_multiple %mul3A_155, 8 : i32
        %dma_start3A_157 = tpu.memref_slice %arg10[%multiple_of3A_156] : memref<10000xi32, #tpu.memory_space<vmem>> -> memref<80xi32, #tpu.memory_space<vmem>>
        %dma_start3A_158 = arith.constant 0 : i32
        %dma_start3A_159 = arith.constant 0 : i32
        %dma_start3A_160 = tpu.memref_slice %arg3[%dma_start3A_158, %dma_start3A_159] : memref<10000x128xf32, #tpu.memory_space<hbm>> -> memref<10000x128xf32, #tpu.memory_space<hbm>>
        tpu.enqueue_indirect_dma source(%dma_start3A_160 : memref<10000x128xf32, #tpu.memory_space<hbm>>) target(%arg13 : memref<80x128xf32, #tpu.memory_space<vmem>>) offsets(%dma_start3A_157 : memref<80xi32, #tpu.memory_space<vmem>>) semaphore(%arg16 : memref<!tpu.dma_semaphore, #tpu.memory_space<semaphore_mem>>)
      } else {
      }
      %mul3A_97 = arith.constant 80 : i32
      %mul3A_98 = arith.muli %mul3A_81, %mul3A_97 : i32
      %multiple_of3A_99 = tpu.assume_multiple %mul3A_98, 8 : i32
      %dma_wait3A_100 = tpu.memref_slice %arg10[%multiple_of3A_99] : memref<10000xi32, #tpu.memory_space<vmem>> -> memref<80xi32, #tpu.memory_space<vmem>>
      %dma_wait3A_101 = arith.constant 0 : i32
      %dma_wait3A_102 = arith.constant 0 : i32
      %dma_wait3A_103 = tpu.memref_slice %arg2[%dma_wait3A_101, %dma_wait3A_102] : memref<10000x128xf32, #tpu.memory_space<hbm>> -> memref<10000x128xf32, #tpu.memory_space<hbm>>
      tpu.wait_indirect_dma semaphore(%arg15 : memref<!tpu.dma_semaphore, #tpu.memory_space<semaphore_mem>>) src(%dma_wait3A_103 : memref<10000x128xf32, #tpu.memory_space<hbm>>) dst(%arg12 : memref<80x128xf32, #tpu.memory_space<vmem>>)
      %mul3A_104 = arith.constant 80 : i32
      %mul3A_105 = arith.muli %mul3A_81, %mul3A_104 : i32
      %multiple_of3A_106 = tpu.assume_multiple %mul3A_105, 8 : i32
      %dma_start3A_107 = tpu.memref_slice %arg11[%multiple_of3A_106] : memref<10000xi32, #tpu.memory_space<vmem>> -> memref<80xi32, #tpu.memory_space<vmem>>
      %dma_start3A_108 = arith.constant 0 : i32
      %dma_start3A_109 = arith.constant 0 : i32
      %dma_start3A_110 = tpu.memref_slice %arg9[%dma_start3A_108, %dma_start3A_109] : memref<10000x128xf32, #tpu.memory_space<vmem_shared>> -> memref<10000x128xf32, #tpu.memory_space<vmem_shared>>
      tpu.enqueue_indirect_dma source(%arg12 : memref<80x128xf32, #tpu.memory_space<vmem>>) target(%dma_start3A_110 : memref<10000x128xf32, #tpu.memory_space<vmem_shared>>) offsets(%dma_start3A_107 : memref<80xi32, #tpu.memory_space<vmem>>) semaphore(%arg17 : memref<!tpu.dma_semaphore, #tpu.memory_space<semaphore_mem>>) {add = true}
      %eq3A_111 = arith.constant 0 : i32
      %eq3A_112 = arith.cmpi eq, %arg0, %eq3A_111 : i32
      %convert_element_type3A_113 = arith.extui %eq3A_112 : i1 to i32
      %cond3A_114 = arith.constant 0 : i32
      %cond3A_115 = arith.cmpi ne, %convert_element_type3A_113, %cond3A_114 : i32
      scf.if %cond3A_115 {
        %mul3A_154 = arith.constant 80 : i32
        %mul3A_155 = arith.muli %mul3A_81, %mul3A_154 : i32
        %multiple_of3A_156 = tpu.assume_multiple %mul3A_155, 8 : i32
        %dma_start3A_157 = arith.constant 0 : i32
        %dma_start3A_158 = tpu.memref_slice %arg20[%dma_start3A_157] : memref<128xf32, #tpu.memory_space<vmem>> -> memref<80xf32, #tpu.memory_space<vmem>>
        %dma_start3A_159 = tpu.memref_slice %arg11[%multiple_of3A_156] : memref<10000xi32, #tpu.memory_space<vmem>> -> memref<80xi32, #tpu.memory_space<vmem>>
        %dma_start3A_160 = arith.constant 0 : i32
        %dma_start3A_161 = tpu.memref_slice %arg19[%dma_start3A_160] : memref<10000xf32, #tpu.memory_space<vmem_shared>> -> memref<10000xf32, #tpu.memory_space<vmem_shared>>
        tpu.enqueue_indirect_dma source(%dma_start3A_158 : memref<80xf32, #tpu.memory_space<vmem>>) target(%dma_start3A_161 : memref<10000xf32, #tpu.memory_space<vmem_shared>>) offsets(%dma_start3A_159 : memref<80xi32, #tpu.memory_space<vmem>>) semaphore(%arg22 : memref<!tpu.dma_semaphore, #tpu.memory_space<semaphore_mem>>) {add = true}
      } else {
      }
      %add3A_116 = arith.constant 2 : i32
      %add3A_117 = arith.addi %mul3A_81, %add3A_116 : i32
      %ge3A_118 = arith.constant 2 : i32
      %ge3A_119 = arith.cmpi sge, %add3A_117, %ge3A_118 : i32
      %convert_element_type3A_120 = arith.extui %ge3A_119 : i1 to i32
      %cond3A_121 = arith.constant 0 : i32
      %cond3A_122 = arith.cmpi ne, %convert_element_type3A_120, %cond3A_121 : i32
      scf.if %cond3A_122 {
        %sub3A = arith.constant 2 : i32
        %sub3A_154 = arith.subi %add3A_117, %sub3A : i32
        %mul3A_155 = arith.constant 80 : i32
        %mul3A_156 = arith.muli %sub3A_154, %mul3A_155 : i32
        %multiple_of3A_157 = tpu.assume_multiple %mul3A_156, 8 : i32
        %dma_wait3A_158 = tpu.memref_slice %arg11[%multiple_of3A_157] : memref<10000xi32, #tpu.memory_space<vmem>> -> memref<80xi32, #tpu.memory_space<vmem>>
        %dma_wait3A_159 = arith.constant 0 : i32
        %dma_wait3A_160 = arith.constant 0 : i32
        %dma_wait3A_161 = tpu.memref_slice %arg9[%dma_wait3A_159, %dma_wait3A_160] : memref<10000x128xf32, #tpu.memory_space<vmem_shared>> -> memref<10000x128xf32, #tpu.memory_space<vmem_shared>>
        tpu.wait_indirect_dma semaphore(%arg17 : memref<!tpu.dma_semaphore, #tpu.memory_space<semaphore_mem>>) src(%arg12 : memref<80x128xf32, #tpu.memory_space<vmem>>) dst(%dma_wait3A_161 : memref<10000x128xf32, #tpu.memory_space<vmem_shared>>)
        %eq3A_162 = arith.constant 0 : i32
        %eq3A_163 = arith.cmpi eq, %arg0, %eq3A_162 : i32
        %convert_element_type3A_164 = arith.extui %eq3A_163 : i1 to i32
        %cond3A_165 = arith.constant 0 : i32
        %cond3A_166 = arith.cmpi ne, %convert_element_type3A_164, %cond3A_165 : i32
        scf.if %cond3A_166 {
          %sub3A_167 = arith.constant 2 : i32
          %sub3A_168 = arith.subi %add3A_117, %sub3A_167 : i32
          %mul3A_169 = arith.constant 80 : i32
          %mul3A_170 = arith.muli %sub3A_168, %mul3A_169 : i32
          %multiple_of3A_171 = tpu.assume_multiple %mul3A_170, 8 : i32
          %dma_wait3A_172 = arith.constant 0 : i32
          %dma_wait3A_173 = tpu.memref_slice %arg20[%dma_wait3A_172] : memref<128xf32, #tpu.memory_space<vmem>> -> memref<80xf32, #tpu.memory_space<vmem>>
          %dma_wait3A_174 = tpu.memref_slice %arg11[%multiple_of3A_171] : memref<10000xi32, #tpu.memory_space<vmem>> -> memref<80xi32, #tpu.memory_space<vmem>>
          %dma_wait3A_175 = arith.constant 0 : i32
          %dma_wait3A_176 = tpu.memref_slice %arg19[%dma_wait3A_175] : memref<10000xf32, #tpu.memory_space<vmem_shared>> -> memref<10000xf32, #tpu.memory_space<vmem_shared>>
          tpu.wait_indirect_dma semaphore(%arg22 : memref<!tpu.dma_semaphore, #tpu.memory_space<semaphore_mem>>) src(%dma_wait3A_173 : memref<80xf32, #tpu.memory_space<vmem>>) dst(%dma_wait3A_176 : memref<10000xf32, #tpu.memory_space<vmem_shared>>)
        } else {
        }
      } else {
      }
      %eq3A_123 = arith.constant 0 : i32
      %eq3A_124 = arith.cmpi eq, %arg0, %eq3A_123 : i32
      %convert_element_type3A_125 = arith.extui %eq3A_124 : i1 to i32
      %cond3A_126 = arith.constant 0 : i32
      %cond3A_127 = arith.cmpi ne, %convert_element_type3A_125, %cond3A_126 : i32
      scf.if %cond3A_127 {
        %mul3A_154 = arith.constant 80 : i32
        %mul3A_155 = arith.muli %add3A_117, %mul3A_154 : i32
        %multiple_of3A_156 = tpu.assume_multiple %mul3A_155, 8 : i32
        %dma_start3A_157 = tpu.memref_slice %arg10[%multiple_of3A_156] : memref<10000xi32, #tpu.memory_space<vmem>> -> memref<80xi32, #tpu.memory_space<vmem>>
        %dma_start3A_158 = arith.constant 0 : i32
        %dma_start3A_159 = arith.constant 0 : i32
        %dma_start3A_160 = tpu.memref_slice %arg2[%dma_start3A_158, %dma_start3A_159] : memref<10000x128xf32, #tpu.memory_space<hbm>> -> memref<10000x128xf32, #tpu.memory_space<hbm>>
        tpu.enqueue_indirect_dma source(%dma_start3A_160 : memref<10000x128xf32, #tpu.memory_space<hbm>>) target(%arg12 : memref<80x128xf32, #tpu.memory_space<vmem>>) offsets(%dma_start3A_157 : memref<80xi32, #tpu.memory_space<vmem>>) semaphore(%arg15 : memref<!tpu.dma_semaphore, #tpu.memory_space<semaphore_mem>>)
      } else {
      }
      %eq3A_128 = arith.constant 1 : i32
      %eq3A_129 = arith.cmpi eq, %arg0, %eq3A_128 : i32
      %convert_element_type3A_130 = arith.extui %eq3A_129 : i1 to i32
      %cond3A_131 = arith.constant 0 : i32
      %cond3A_132 = arith.cmpi ne, %convert_element_type3A_130, %cond3A_131 : i32
      scf.if %cond3A_132 {
        %mul3A_154 = arith.constant 80 : i32
        %mul3A_155 = arith.muli %add3A_117, %mul3A_154 : i32
        %multiple_of3A_156 = tpu.assume_multiple %mul3A_155, 8 : i32
        %dma_start3A_157 = tpu.memref_slice %arg10[%multiple_of3A_156] : memref<10000xi32, #tpu.memory_space<vmem>> -> memref<80xi32, #tpu.memory_space<vmem>>
        %dma_start3A_158 = arith.constant 0 : i32
        %dma_start3A_159 = arith.constant 0 : i32
        %dma_start3A_160 = tpu.memref_slice %arg3[%dma_start3A_158, %dma_start3A_159] : memref<10000x128xf32, #tpu.memory_space<hbm>> -> memref<10000x128xf32, #tpu.memory_space<hbm>>
        tpu.enqueue_indirect_dma source(%dma_start3A_160 : memref<10000x128xf32, #tpu.memory_space<hbm>>) target(%arg12 : memref<80x128xf32, #tpu.memory_space<vmem>>) offsets(%dma_start3A_157 : memref<80xi32, #tpu.memory_space<vmem>>) semaphore(%arg15 : memref<!tpu.dma_semaphore, #tpu.memory_space<semaphore_mem>>)
      } else {
      }
      %add3A_133 = arith.constant 1 : i32
      %add3A_134 = arith.addi %mul3A_81, %add3A_133 : i32
      %mul3A_135 = arith.constant 80 : i32
      %mul3A_136 = arith.muli %add3A_134, %mul3A_135 : i32
      %multiple_of3A_137 = tpu.assume_multiple %mul3A_136, 8 : i32
      %dma_wait3A_138 = tpu.memref_slice %arg10[%multiple_of3A_137] : memref<10000xi32, #tpu.memory_space<vmem>> -> memref<80xi32, #tpu.memory_space<vmem>>
      %dma_wait3A_139 = arith.constant 0 : i32
      %dma_wait3A_140 = arith.constant 0 : i32
      %dma_wait3A_141 = tpu.memref_slice %arg2[%dma_wait3A_139, %dma_wait3A_140] : memref<10000x128xf32, #tpu.memory_space<hbm>> -> memref<10000x128xf32, #tpu.memory_space<hbm>>
      tpu.wait_indirect_dma semaphore(%arg16 : memref<!tpu.dma_semaphore, #tpu.memory_space<semaphore_mem>>) src(%dma_wait3A_141 : memref<10000x128xf32, #tpu.memory_space<hbm>>) dst(%arg13 : memref<80x128xf32, #tpu.memory_space<vmem>>)
      %mul3A_142 = arith.constant 80 : i32
      %mul3A_143 = arith.muli %add3A_134, %mul3A_142 : i32
      %multiple_of3A_144 = tpu.assume_multiple %mul3A_143, 8 : i32
      %dma_start3A_145 = tpu.memref_slice %arg11[%multiple_of3A_144] : memref<10000xi32, #tpu.memory_space<vmem>> -> memref<80xi32, #tpu.memory_space<vmem>>
      %dma_start3A_146 = arith.constant 0 : i32
      %dma_start3A_147 = arith.constant 0 : i32
      %dma_start3A_148 = tpu.memref_slice %arg9[%dma_start3A_146, %dma_start3A_147] : memref<10000x128xf32, #tpu.memory_space<vmem_shared>> -> memref<10000x128xf32, #tpu.memory_space<vmem_shared>>
      tpu.enqueue_indirect_dma source(%arg13 : memref<80x128xf32, #tpu.memory_space<vmem>>) target(%dma_start3A_148 : memref<10000x128xf32, #tpu.memory_space<vmem_shared>>) offsets(%dma_start3A_145 : memref<80xi32, #tpu.memory_space<vmem>>) semaphore(%arg18 : memref<!tpu.dma_semaphore, #tpu.memory_space<semaphore_mem>>) {add = true}
      %eq3A_149 = arith.constant 0 : i32
      %eq3A_150 = arith.cmpi eq, %arg0, %eq3A_149 : i32
      %convert_element_type3A_151 = arith.extui %eq3A_150 : i1 to i32
      %cond3A_152 = arith.constant 0 : i32
      %cond3A_153 = arith.cmpi ne, %convert_element_type3A_151, %cond3A_152 : i32
      scf.if %cond3A_153 {
        %mul3A_154 = arith.constant 80 : i32
        %mul3A_155 = arith.muli %add3A_134, %mul3A_154 : i32
        %multiple_of3A_156 = tpu.assume_multiple %mul3A_155, 8 : i32
        %dma_start3A_157 = arith.constant 0 : i32
        %dma_start3A_158 = tpu.memref_slice %arg20[%dma_start3A_157] : memref<128xf32, #tpu.memory_space<vmem>> -> memref<80xf32, #tpu.memory_space<vmem>>
        %dma_start3A_159 = tpu.memref_slice %arg11[%multiple_of3A_156] : memref<10000xi32, #tpu.memory_space<vmem>> -> memref<80xi32, #tpu.memory_space<vmem>>
        %dma_start3A_160 = arith.constant 0 : i32
        %dma_start3A_161 = tpu.memref_slice %arg19[%dma_start3A_160] : memref<10000xf32, #tpu.memory_space<vmem_shared>> -> memref<10000xf32, #tpu.memory_space<vmem_shared>>
        tpu.enqueue_indirect_dma source(%dma_start3A_158 : memref<80xf32, #tpu.memory_space<vmem>>) target(%dma_start3A_161 : memref<10000xf32, #tpu.memory_space<vmem_shared>>) offsets(%dma_start3A_159 : memref<80xi32, #tpu.memory_space<vmem>>) semaphore(%arg23 : memref<!tpu.dma_semaphore, #tpu.memory_space<semaphore_mem>>) {add = true}
      } else {
      }
    }
    %scan3A_40 = arith.constant 62 : i32
    %multiple_of3A_41 = arith.constant 9920 : i32
    %multiple_of3A_42 = tpu.assume_multiple %multiple_of3A_41, 8 : i32
    %dma_wait3A = tpu.memref_slice %arg10[%multiple_of3A_42] : memref<10000xi32, #tpu.memory_space<vmem>> -> memref<80xi32, #tpu.memory_space<vmem>>
    %dma_wait3A_43 = arith.constant 0 : i32
    %dma_wait3A_44 = arith.constant 0 : i32
    %dma_wait3A_45 = tpu.memref_slice %arg2[%dma_wait3A_43, %dma_wait3A_44] : memref<10000x128xf32, #tpu.memory_space<hbm>> -> memref<10000x128xf32, #tpu.memory_space<hbm>>
    tpu.wait_indirect_dma semaphore(%arg15 : memref<!tpu.dma_semaphore, #tpu.memory_space<semaphore_mem>>) src(%dma_wait3A_45 : memref<10000x128xf32, #tpu.memory_space<hbm>>) dst(%arg12 : memref<80x128xf32, #tpu.memory_space<vmem>>)
    %multiple_of3A_46 = arith.constant 9920 : i32
    %multiple_of3A_47 = tpu.assume_multiple %multiple_of3A_46, 8 : i32
    %dma_start3A = tpu.memref_slice %arg11[%multiple_of3A_47] : memref<10000xi32, #tpu.memory_space<vmem>> -> memref<80xi32, #tpu.memory_space<vmem>>
    %dma_start3A_48 = arith.constant 0 : i32
    %dma_start3A_49 = arith.constant 0 : i32
    %dma_start3A_50 = tpu.memref_slice %arg9[%dma_start3A_48, %dma_start3A_49] : memref<10000x128xf32, #tpu.memory_space<vmem_shared>> -> memref<10000x128xf32, #tpu.memory_space<vmem_shared>>
    tpu.enqueue_indirect_dma source(%arg12 : memref<80x128xf32, #tpu.memory_space<vmem>>) target(%dma_start3A_50 : memref<10000x128xf32, #tpu.memory_space<vmem_shared>>) offsets(%dma_start3A : memref<80xi32, #tpu.memory_space<vmem>>) semaphore(%arg17 : memref<!tpu.dma_semaphore, #tpu.memory_space<semaphore_mem>>) {add = true}
    %eq3A_51 = arith.constant 0 : i32
    %eq3A_52 = arith.cmpi eq, %arg0, %eq3A_51 : i32
    %convert_element_type3A_53 = arith.extui %eq3A_52 : i1 to i32
    %cond3A_54 = arith.constant 0 : i32
    %cond3A_55 = arith.cmpi ne, %convert_element_type3A_53, %cond3A_54 : i32
    scf.if %cond3A_55 {
      %multiple_of3A_79 = arith.constant 9920 : i32
      %multiple_of3A_80 = tpu.assume_multiple %multiple_of3A_79, 8 : i32
      %dma_start3A_81 = arith.constant 0 : i32
      %dma_start3A_82 = tpu.memref_slice %arg20[%dma_start3A_81] : memref<128xf32, #tpu.memory_space<vmem>> -> memref<80xf32, #tpu.memory_space<vmem>>
      %dma_start3A_83 = tpu.memref_slice %arg11[%multiple_of3A_80] : memref<10000xi32, #tpu.memory_space<vmem>> -> memref<80xi32, #tpu.memory_space<vmem>>
      %dma_start3A_84 = arith.constant 0 : i32
      %dma_start3A_85 = tpu.memref_slice %arg19[%dma_start3A_84] : memref<10000xf32, #tpu.memory_space<vmem_shared>> -> memref<10000xf32, #tpu.memory_space<vmem_shared>>
      tpu.enqueue_indirect_dma source(%dma_start3A_82 : memref<80xf32, #tpu.memory_space<vmem>>) target(%dma_start3A_85 : memref<10000xf32, #tpu.memory_space<vmem_shared>>) offsets(%dma_start3A_83 : memref<80xi32, #tpu.memory_space<vmem>>) semaphore(%arg22 : memref<!tpu.dma_semaphore, #tpu.memory_space<semaphore_mem>>) {add = true}
    } else {
    }
    %multiple_of3A_56 = arith.constant 9920 : i32
    %multiple_of3A_57 = tpu.assume_multiple %multiple_of3A_56, 8 : i32
    %dma_wait3A_58 = tpu.memref_slice %arg11[%multiple_of3A_57] : memref<10000xi32, #tpu.memory_space<vmem>> -> memref<80xi32, #tpu.memory_space<vmem>>
    %dma_wait3A_59 = arith.constant 0 : i32
    %dma_wait3A_60 = arith.constant 0 : i32
    %dma_wait3A_61 = tpu.memref_slice %arg9[%dma_wait3A_59, %dma_wait3A_60] : memref<10000x128xf32, #tpu.memory_space<vmem_shared>> -> memref<10000x128xf32, #tpu.memory_space<vmem_shared>>
    tpu.wait_indirect_dma semaphore(%arg17 : memref<!tpu.dma_semaphore, #tpu.memory_space<semaphore_mem>>) src(%arg12 : memref<80x128xf32, #tpu.memory_space<vmem>>) dst(%dma_wait3A_61 : memref<10000x128xf32, #tpu.memory_space<vmem_shared>>)
    %multiple_of3A_62 = arith.constant 9840 : i32
    %multiple_of3A_63 = tpu.assume_multiple %multiple_of3A_62, 8 : i32
    %dma_wait3A_64 = tpu.memref_slice %arg11[%multiple_of3A_63] : memref<10000xi32, #tpu.memory_space<vmem>> -> memref<80xi32, #tpu.memory_space<vmem>>
    %dma_wait3A_65 = arith.constant 0 : i32
    %dma_wait3A_66 = arith.constant 0 : i32
    %dma_wait3A_67 = tpu.memref_slice %arg9[%dma_wait3A_65, %dma_wait3A_66] : memref<10000x128xf32, #tpu.memory_space<vmem_shared>> -> memref<10000x128xf32, #tpu.memory_space<vmem_shared>>
    tpu.wait_indirect_dma semaphore(%arg18 : memref<!tpu.dma_semaphore, #tpu.memory_space<semaphore_mem>>) src(%arg13 : memref<80x128xf32, #tpu.memory_space<vmem>>) dst(%dma_wait3A_67 : memref<10000x128xf32, #tpu.memory_space<vmem_shared>>)
    %eq3A_68 = arith.constant 0 : i32
    %eq3A_69 = arith.cmpi eq, %arg0, %eq3A_68 : i32
    %convert_element_type3A_70 = arith.extui %eq3A_69 : i1 to i32
    %cond3A_71 = arith.constant 0 : i32
    %cond3A_72 = arith.cmpi ne, %convert_element_type3A_70, %cond3A_71 : i32
    scf.if %cond3A_72 {
      %multiple_of3A_79 = arith.constant 9920 : i32
      %multiple_of3A_80 = tpu.assume_multiple %multiple_of3A_79, 8 : i32
      %dma_wait3A_81 = arith.constant 0 : i32
      %dma_wait3A_82 = tpu.memref_slice %arg20[%dma_wait3A_81] : memref<128xf32, #tpu.memory_space<vmem>> -> memref<80xf32, #tpu.memory_space<vmem>>
      %dma_wait3A_83 = tpu.memref_slice %arg11[%multiple_of3A_80] : memref<10000xi32, #tpu.memory_space<vmem>> -> memref<80xi32, #tpu.memory_space<vmem>>
      %dma_wait3A_84 = arith.constant 0 : i32
      %dma_wait3A_85 = tpu.memref_slice %arg19[%dma_wait3A_84] : memref<10000xf32, #tpu.memory_space<vmem_shared>> -> memref<10000xf32, #tpu.memory_space<vmem_shared>>
      tpu.wait_indirect_dma semaphore(%arg22 : memref<!tpu.dma_semaphore, #tpu.memory_space<semaphore_mem>>) src(%dma_wait3A_82 : memref<80xf32, #tpu.memory_space<vmem>>) dst(%dma_wait3A_85 : memref<10000xf32, #tpu.memory_space<vmem_shared>>)
      %multiple_of3A_86 = arith.constant 9840 : i32
      %multiple_of3A_87 = tpu.assume_multiple %multiple_of3A_86, 8 : i32
      %dma_wait3A_88 = arith.constant 0 : i32
      %dma_wait3A_89 = tpu.memref_slice %arg20[%dma_wait3A_88] : memref<128xf32, #tpu.memory_space<vmem>> -> memref<80xf32, #tpu.memory_space<vmem>>
      %dma_wait3A_90 = tpu.memref_slice %arg11[%multiple_of3A_87] : memref<10000xi32, #tpu.memory_space<vmem>> -> memref<80xi32, #tpu.memory_space<vmem>>
      %dma_wait3A_91 = arith.constant 0 : i32
      %dma_wait3A_92 = tpu.memref_slice %arg19[%dma_wait3A_91] : memref<10000xf32, #tpu.memory_space<vmem_shared>> -> memref<10000xf32, #tpu.memory_space<vmem_shared>>
      tpu.wait_indirect_dma semaphore(%arg23 : memref<!tpu.dma_semaphore, #tpu.memory_space<semaphore_mem>>) src(%dma_wait3A_89 : memref<80xf32, #tpu.memory_space<vmem>>) dst(%dma_wait3A_92 : memref<10000xf32, #tpu.memory_space<vmem_shared>>)
    } else {
    }
    %barrier3A_73 = arith.constant 0 : index
    tpu.barrier barrier_id(%barrier3A_73)
    %lt3A_74 = arith.constant 10 : i32
    %lt3A_75 = arith.cmpi slt, %arg1, %lt3A_74 : i32
    %convert_element_type3A_76 = arith.extui %lt3A_75 : i1 to i32
    %cond3A_77 = arith.constant 0 : i32
    %cond3A_78 = arith.cmpi ne, %convert_element_type3A_76, %cond3A_77 : i32
    scf.if %cond3A_78 {
      %mul3A_79 = arith.constant 1000 : i32
      %mul3A_80 = arith.muli %arg1, %mul3A_79 : i32
      %multiple_of3A_81 = tpu.assume_multiple %mul3A_80, 8 : i32
      %eq3A_82 = arith.constant 0 : i32
      %eq3A_83 = arith.cmpi eq, %arg0, %eq3A_82 : i32
      %convert_element_type3A_84 = arith.extui %eq3A_83 : i1 to i32
      %cond3A_85 = arith.constant 0 : i32
      %cond3A_86 = arith.cmpi ne, %convert_element_type3A_84, %cond3A_85 : i32
      scf.if %cond3A_86 {
        "tpu.region"() ({
          %run_scoped3A = tpu.sem_alloc : memref<!tpu.dma_semaphore, #tpu.memory_space<semaphore_mem>>
          %dma_start3A_97 = arith.constant 0 : i32
          %dma_start3A_98 = tpu.memref_slice %arg6[%multiple_of3A_81, %dma_start3A_97] : memref<10000x128xf32, #tpu.memory_space<hbm>> -> memref<1000x128xf32, #tpu.memory_space<hbm>>
          %dma_start3A_99 = arith.constant 0 : i32
          %dma_start3A_100 = tpu.memref_slice %arg9[%multiple_of3A_81, %dma_start3A_99] : memref<10000x128xf32, #tpu.memory_space<vmem_shared>> -> memref<1000x128xf32, #tpu.memory_space<vmem_shared>>
          tpu.enqueue_dma source(%dma_start3A_100 : memref<1000x128xf32, #tpu.memory_space<vmem_shared>>) target(%dma_start3A_98 : memref<1000x128xf32, #tpu.memory_space<hbm>>) target_semaphore(%run_scoped3A : memref<!tpu.dma_semaphore, #tpu.memory_space<semaphore_mem>>)
          %dma_wait3A_101 = arith.constant 0 : i32
          %dma_wait3A_102 = tpu.memref_slice %arg6[%multiple_of3A_81, %dma_wait3A_101] : memref<10000x128xf32, #tpu.memory_space<hbm>> -> memref<1000x128xf32, #tpu.memory_space<hbm>>
          %dma_wait3A_103 = arith.constant 0 : i32
          %dma_wait3A_104 = tpu.memref_slice %arg9[%multiple_of3A_81, %dma_wait3A_103] : memref<10000x128xf32, #tpu.memory_space<vmem_shared>> -> memref<1000x128xf32, #tpu.memory_space<vmem_shared>>
          tpu.wait_dma2 semaphore(%run_scoped3A : memref<!tpu.dma_semaphore, #tpu.memory_space<semaphore_mem>>) src(%dma_wait3A_104 : memref<1000x128xf32, #tpu.memory_space<vmem_shared>>) dst(%dma_wait3A_102 : memref<1000x128xf32, #tpu.memory_space<hbm>>)
          tpu.yield
        }) : () -> ()
      } else {
      }
      %eq3A_87 = arith.constant 1 : i32
      %eq3A_88 = arith.cmpi eq, %arg0, %eq3A_87 : i32
      %convert_element_type3A_89 = arith.extui %eq3A_88 : i1 to i32
      %cond3A_90 = arith.constant 0 : i32
      %cond3A_91 = arith.cmpi ne, %convert_element_type3A_89, %cond3A_90 : i32
      scf.if %cond3A_91 {
        "tpu.region"() ({
          %run_scoped3A = tpu.sem_alloc : memref<!tpu.dma_semaphore, #tpu.memory_space<semaphore_mem>>
          %dma_start3A_97 = arith.constant 0 : i32
          %dma_start3A_98 = tpu.memref_slice %arg7[%multiple_of3A_81, %dma_start3A_97] : memref<10000x128xf32, #tpu.memory_space<hbm>> -> memref<1000x128xf32, #tpu.memory_space<hbm>>
          %dma_start3A_99 = arith.constant 0 : i32
          %dma_start3A_100 = tpu.memref_slice %arg9[%multiple_of3A_81, %dma_start3A_99] : memref<10000x128xf32, #tpu.memory_space<vmem_shared>> -> memref<1000x128xf32, #tpu.memory_space<vmem_shared>>
          tpu.enqueue_dma source(%dma_start3A_100 : memref<1000x128xf32, #tpu.memory_space<vmem_shared>>) target(%dma_start3A_98 : memref<1000x128xf32, #tpu.memory_space<hbm>>) target_semaphore(%run_scoped3A : memref<!tpu.dma_semaphore, #tpu.memory_space<semaphore_mem>>)
          %dma_wait3A_101 = arith.constant 0 : i32
          %dma_wait3A_102 = tpu.memref_slice %arg7[%multiple_of3A_81, %dma_wait3A_101] : memref<10000x128xf32, #tpu.memory_space<hbm>> -> memref<1000x128xf32, #tpu.memory_space<hbm>>
          %dma_wait3A_103 = arith.constant 0 : i32
          %dma_wait3A_104 = tpu.memref_slice %arg9[%multiple_of3A_81, %dma_wait3A_103] : memref<10000x128xf32, #tpu.memory_space<vmem_shared>> -> memref<1000x128xf32, #tpu.memory_space<vmem_shared>>
          tpu.wait_dma2 semaphore(%run_scoped3A : memref<!tpu.dma_semaphore, #tpu.memory_space<semaphore_mem>>) src(%dma_wait3A_104 : memref<1000x128xf32, #tpu.memory_space<vmem_shared>>) dst(%dma_wait3A_102 : memref<1000x128xf32, #tpu.memory_space<hbm>>)
          tpu.yield
        }) : () -> ()
      } else {
      }
      %eq3A_92 = arith.constant 0 : i32
      %eq3A_93 = arith.cmpi eq, %arg0, %eq3A_92 : i32
      %convert_element_type3A_94 = arith.extui %eq3A_93 : i1 to i32
      %cond3A_95 = arith.constant 0 : i32
      %cond3A_96 = arith.cmpi ne, %convert_element_type3A_94, %cond3A_95 : i32
      scf.if %cond3A_96 {
        "tpu.region"() ({
          %run_scoped3A = tpu.sem_alloc : memref<!tpu.dma_semaphore, #tpu.memory_space<semaphore_mem>>
          %dma_start3A_97 = tpu.memref_slice %arg19[%multiple_of3A_81] : memref<10000xf32, #tpu.memory_space<vmem_shared>> -> memref<1000xf32, #tpu.memory_space<vmem_shared>>
          %dma_start3A_98 = tpu.memref_slice %arg19[%multiple_of3A_81] : memref<10000xf32, #tpu.memory_space<vmem_shared>> -> memref<1000xf32, #tpu.memory_space<vmem_shared>>
          tpu.enqueue_dma source(%dma_start3A_98 : memref<1000xf32, #tpu.memory_space<vmem_shared>>) target(%arg21 : memref<1000xf32, #tpu.memory_space<vmem>>) target_semaphore(%run_scoped3A : memref<!tpu.dma_semaphore, #tpu.memory_space<semaphore_mem>>)
          %dma_wait3A_99 = tpu.memref_slice %arg19[%multiple_of3A_81] : memref<10000xf32, #tpu.memory_space<vmem_shared>> -> memref<1000xf32, #tpu.memory_space<vmem_shared>>
          %dma_wait3A_100 = tpu.memref_slice %arg19[%multiple_of3A_81] : memref<10000xf32, #tpu.memory_space<vmem_shared>> -> memref<1000xf32, #tpu.memory_space<vmem_shared>>
          tpu.wait_dma2 semaphore(%run_scoped3A : memref<!tpu.dma_semaphore, #tpu.memory_space<semaphore_mem>>) src(%dma_wait3A_100 : memref<1000xf32, #tpu.memory_space<vmem_shared>>) dst(%arg21 : memref<1000xf32, #tpu.memory_space<vmem>>)
          tpu.yield
        }) : () -> ()
        "tpu.region"() ({
          %run_scoped3A = tpu.sem_alloc : memref<!tpu.dma_semaphore, #tpu.memory_space<semaphore_mem>>
          %dma_start3A_97 = tpu.memref_slice %arg8[%multiple_of3A_81] : memref<10000xf32, #tpu.memory_space<hbm>> -> memref<1000xf32, #tpu.memory_space<hbm>>
          %dma_start3A_98 = tpu.memref_slice %arg8[%multiple_of3A_81] : memref<10000xf32, #tpu.memory_space<hbm>> -> memref<1000xf32, #tpu.memory_space<hbm>>
          tpu.enqueue_dma source(%arg21 : memref<1000xf32, #tpu.memory_space<vmem>>) target(%dma_start3A_98 : memref<1000xf32, #tpu.memory_space<hbm>>) target_semaphore(%run_scoped3A : memref<!tpu.dma_semaphore, #tpu.memory_space<semaphore_mem>>)
          %dma_wait3A_99 = tpu.memref_slice %arg8[%multiple_of3A_81] : memref<10000xf32, #tpu.memory_space<hbm>> -> memref<1000xf32, #tpu.memory_space<hbm>>
          %dma_wait3A_100 = tpu.memref_slice %arg8[%multiple_of3A_81] : memref<10000xf32, #tpu.memory_space<hbm>> -> memref<1000xf32, #tpu.memory_space<hbm>>
          tpu.wait_dma2 semaphore(%run_scoped3A : memref<!tpu.dma_semaphore, #tpu.memory_space<semaphore_mem>>) src(%arg21 : memref<1000xf32, #tpu.memory_space<vmem>>) dst(%dma_wait3A_100 : memref<1000xf32, #tpu.memory_space<hbm>>)
          tpu.yield
        }) : () -> ()
      } else {
      }
    } else {
    }
    return
  }
}

module attributes {stable_mosaic.version = 14 : i64} {
  func.func @_l1_body(%arg0: i32, %arg1: memref<1000x1xf32, #tpu.memory_space<vmem>>, %arg2: memref<1000x128xf32, #tpu.memory_space<vmem>>, %arg3: memref<1000x128xf32, #tpu.memory_space<vmem>>, %arg4: memref<1000x128xf32, #tpu.memory_space<vmem>>, %arg5: memref<1000x128xf32, #tpu.memory_space<vmem>>, %arg6: memref<256x256xf32, #tpu.memory_space<vmem>>, %arg7: memref<256x256xf32, #tpu.memory_space<vmem>>, %arg8: memref<1x256xf32, #tpu.memory_space<vmem>>, %arg9: memref<1x256xf32, #tpu.memory_space<vmem>>, %arg10: memref<1x256xf32, #tpu.memory_space<vmem>>, %arg11: memref<1000x128xf32, #tpu.memory_space<vmem>>, %arg12: memref<1000x128xf32, #tpu.memory_space<vmem>>) attributes {dimension_semantics = [#tpu.dimension_semantics<arbitrary>], iteration_bounds = array<i64: 10>, scalar_prefetch = 0 : i64, scratch_operands = 0 : i64, tpu.core_type = #tpu.core_type<tc>, window_params = [{transform_indices = @transform_0, window_bounds = array<i64: 1000, 1>}, {transform_indices = @transform_1, window_bounds = array<i64: 1000, 128>}, {transform_indices = @transform_2, window_bounds = array<i64: 1000, 128>}, {transform_indices = @transform_3, window_bounds = array<i64: 1000, 128>}, {transform_indices = @transform_4, window_bounds = array<i64: 1000, 128>}, {pipeline_mode = #tpu.pipeline_mode<synchronous>, transform_indices = @transform_5, window_bounds = array<i64: 256, 256>}, {pipeline_mode = #tpu.pipeline_mode<synchronous>, transform_indices = @transform_6, window_bounds = array<i64: 256, 256>}, {pipeline_mode = #tpu.pipeline_mode<synchronous>, transform_indices = @transform_7, window_bounds = array<i64: 1, 256>}, {pipeline_mode = #tpu.pipeline_mode<synchronous>, transform_indices = @transform_8, window_bounds = array<i64: 1, 256>}, {pipeline_mode = #tpu.pipeline_mode<synchronous>, transform_indices = @transform_9, window_bounds = array<i64: 1, 256>}, {transform_indices = @transform_10, window_bounds = array<i64: 1000, 128>}, {transform_indices = @transform_11, window_bounds = array<i64: 1000, 128>}]} {
    %get3A = arith.constant 0 : index
    %get3A_0 = arith.constant 0 : index
    %get3A_1 = vector.load %arg1[%get3A, %get3A_0] : memref<1000x1xf32, #tpu.memory_space<vmem>>, vector<1000x1xf32>
    %max3A = arith.constant 1.000000e+00 : f32
    %max3A_2 = vector.broadcast %max3A : f32 to vector<1000x1xf32>
    %max3A_3 = arith.maximumf %get3A_1, %max3A_2 : vector<1000x1xf32>
    %div3A = arith.constant 1.000000e+00 : f32
    %div3A_4 = vector.broadcast %div3A : f32 to vector<1000x1xf32>
    %div3A_5 = arith.divf %div3A_4, %max3A_3 : vector<1000x1xf32>
    %get3A_6 = arith.constant 0 : index
    %get3A_7 = arith.constant 0 : index
    %get3A_8 = vector.load %arg2[%get3A_6, %get3A_7] : memref<1000x128xf32, #tpu.memory_space<vmem>>, vector<1000x128xf32>
    %mul3A = vector.broadcast %div3A_5 : vector<1000x1xf32> to vector<1000x128xf32>
    %mul3A_9 = arith.mulf %get3A_8, %mul3A : vector<1000x128xf32>
    %get3A_10 = arith.constant 0 : index
    %get3A_11 = arith.constant 0 : index
    %get3A_12 = vector.load %arg3[%get3A_10, %get3A_11] : memref<1000x128xf32, #tpu.memory_space<vmem>>, vector<1000x128xf32>
    %mul3A_13 = vector.broadcast %div3A_5 : vector<1000x1xf32> to vector<1000x128xf32>
    %mul3A_14 = arith.mulf %get3A_12, %mul3A_13 : vector<1000x128xf32>
    %concatenate3A = tpu.concatenate %mul3A_9, %mul3A_14 in 1 : vector<1000x128xf32>, vector<1000x128xf32> -> vector<1000x256xf32>
    %get3A_15 = arith.constant 0 : index
    %get3A_16 = arith.constant 0 : index
    %get3A_17 = vector.load %arg4[%get3A_15, %get3A_16] : memref<1000x128xf32, #tpu.memory_space<vmem>>, vector<1000x128xf32>
    %get3A_18 = arith.constant 0 : index
    %get3A_19 = arith.constant 0 : index
    %get3A_20 = vector.load %arg5[%get3A_18, %get3A_19] : memref<1000x128xf32, #tpu.memory_space<vmem>>, vector<1000x128xf32>
    %concatenate3A_21 = tpu.concatenate %get3A_17, %get3A_20 in 1 : vector<1000x128xf32>, vector<1000x128xf32> -> vector<1000x256xf32>
    %get3A_22 = arith.constant 0 : index
    %get3A_23 = arith.constant 0 : index
    %get3A_24 = vector.load %arg6[%get3A_22, %get3A_23] : memref<256x256xf32, #tpu.memory_space<vmem>>, vector<256x256xf32>
    %dot_general3A = arith.constant dense<0.000000e+00> : vector<1000x256xf32>
    %dot_general3A_25 = tpu.matmul %concatenate3A, %get3A_24, %dot_general3A {dimension_numbers = #tpu.dot_dimension_numbers<[1], [0], [0], [1], [0, 0, 1, 1], [], []>, transpose_lhs_hint = false} : vector<1000x256xf32>, vector<256x256xf32>, vector<1000x256xf32> -> vector<1000x256xf32>
    %get3A_26 = arith.constant 0 : index
    %get3A_27 = arith.constant 0 : index
    %get3A_28 = vector.load %arg7[%get3A_26, %get3A_27] : memref<256x256xf32, #tpu.memory_space<vmem>>, vector<256x256xf32>
    %dot_general3A_29 = arith.constant dense<0.000000e+00> : vector<1000x256xf32>
    %dot_general3A_30 = tpu.matmul %concatenate3A_21, %get3A_28, %dot_general3A_29 {dimension_numbers = #tpu.dot_dimension_numbers<[1], [0], [0], [1], [0, 0, 1, 1], [], []>, transpose_lhs_hint = false} : vector<1000x256xf32>, vector<256x256xf32>, vector<1000x256xf32> -> vector<1000x256xf32>
    %add3A = arith.addf %dot_general3A_25, %dot_general3A_30 : vector<1000x256xf32>
    %get3A_31 = arith.constant 0 : index
    %get3A_32 = arith.constant 0 : index
    %get3A_33 = vector.load %arg8[%get3A_31, %get3A_32] : memref<1x256xf32, #tpu.memory_space<vmem>>, vector<1x256xf32>
    %mul3A_34 = arith.constant 0.999994993 : f32
    %mul3A_35 = vector.broadcast %mul3A_34 : f32 to vector<1x256xf32>
    %mul3A_36 = arith.mulf %get3A_33, %mul3A_35 : vector<1x256xf32>
    %mul3A_37 = vector.broadcast %mul3A_36 : vector<1x256xf32> to vector<1000x256xf32>
    %mul3A_38 = arith.mulf %add3A, %mul3A_37 : vector<1000x256xf32>
    %get3A_39 = arith.constant 0 : index
    %get3A_40 = arith.constant 0 : index
    %get3A_41 = vector.load %arg9[%get3A_39, %get3A_40] : memref<1x256xf32, #tpu.memory_space<vmem>>, vector<1x256xf32>
    %get3A_42 = arith.constant 0 : index
    %get3A_43 = arith.constant 0 : index
    %get3A_44 = vector.load %arg10[%get3A_42, %get3A_43] : memref<1x256xf32, #tpu.memory_space<vmem>>, vector<1x256xf32>
    %mul3A_45 = arith.mulf %mul3A_36, %get3A_44 : vector<1x256xf32>
    %add3A_46 = arith.addf %get3A_41, %mul3A_45 : vector<1x256xf32>
    %add3A_47 = vector.broadcast %add3A_46 : vector<1x256xf32> to vector<1000x256xf32>
    %add3A_48 = arith.addf %mul3A_38, %add3A_47 : vector<1000x256xf32>
    %max3A_49 = arith.constant 0.000000e+00 : f32
    %max3A_50 = vector.broadcast %max3A_49 : f32 to vector<1000x256xf32>
    %max3A_51 = arith.maximumf %add3A_48, %max3A_50 : vector<1000x256xf32>
    %slice3A = vector.extract_strided_slice %max3A_51 {offsets = [0, 0], sizes = [1000, 128], strides = [1, 1]} : vector<1000x256xf32> to vector<1000x128xf32>
    %swap3A = arith.constant 0 : index
    %swap3A_52 = arith.constant 0 : index
    %swap3A_53 = vector.load %arg11[%swap3A, %swap3A_52] : memref<1000x128xf32, #tpu.memory_space<vmem>>, vector<1000x128xf32>
    tpu.vector_store %arg11[%swap3A, %swap3A_52], %slice3A {strides = array<i32>} : memref<1000x128xf32, #tpu.memory_space<vmem>>, vector<1000x128xf32>,
    %slice3A_54 = vector.extract_strided_slice %max3A_51 {offsets = [0, 128], sizes = [1000, 128], strides = [1, 1]} : vector<1000x256xf32> to vector<1000x128xf32>
    %swap3A_55 = arith.constant 0 : index
    %swap3A_56 = arith.constant 0 : index
    %swap3A_57 = vector.load %arg12[%swap3A_55, %swap3A_56] : memref<1000x128xf32, #tpu.memory_space<vmem>>, vector<1000x128xf32>
    tpu.vector_store %arg12[%swap3A_55, %swap3A_56], %slice3A_54 {strides = array<i32>} : memref<1000x128xf32, #tpu.memory_space<vmem>>, vector<1000x128xf32>,
    return
  }
  func.func @transform_0(%arg0: i32) -> (i32, i32) {
    %c0_i32 = arith.constant 0 : i32
    %c0_i32_0 = arith.constant 0 : i32
    return %arg0, %c0_i32 : i32, i32
  }
  func.func @transform_1(%arg0: i32) -> (i32, i32) {
    %c0_i32 = arith.constant 0 : i32
    %c0_i32_0 = arith.constant 0 : i32
    return %arg0, %c0_i32 : i32, i32
  }
  func.func @transform_2(%arg0: i32) -> (i32, i32) {
    %c0_i32 = arith.constant 0 : i32
    %c0_i32_0 = arith.constant 0 : i32
    return %arg0, %c0_i32 : i32, i32
  }
  func.func @transform_3(%arg0: i32) -> (i32, i32) {
    %c0_i32 = arith.constant 0 : i32
    %c0_i32_0 = arith.constant 0 : i32
    return %arg0, %c0_i32 : i32, i32
  }
  func.func @transform_4(%arg0: i32) -> (i32, i32) {
    %c0_i32 = arith.constant 0 : i32
    %c0_i32_0 = arith.constant 0 : i32
    return %arg0, %c0_i32 : i32, i32
  }
  func.func @transform_5(%arg0: i32) -> (i32, i32) {
    %c0_i32 = arith.constant 0 : i32
    %c0_i32_0 = arith.constant 0 : i32
    %c0_i32_1 = arith.constant 0 : i32
    return %c0_i32, %c0_i32_0 : i32, i32
  }
  func.func @transform_6(%arg0: i32) -> (i32, i32) {
    %c0_i32 = arith.constant 0 : i32
    %c0_i32_0 = arith.constant 0 : i32
    %c0_i32_1 = arith.constant 0 : i32
    return %c0_i32, %c0_i32_0 : i32, i32
  }
  func.func @transform_7(%arg0: i32) -> (i32, i32) {
    %c0_i32 = arith.constant 0 : i32
    %c0_i32_0 = arith.constant 0 : i32
    %c0_i32_1 = arith.constant 0 : i32
    return %c0_i32, %c0_i32_0 : i32, i32
  }
  func.func @transform_8(%arg0: i32) -> (i32, i32) {
    %c0_i32 = arith.constant 0 : i32
    %c0_i32_0 = arith.constant 0 : i32
    %c0_i32_1 = arith.constant 0 : i32
    return %c0_i32, %c0_i32_0 : i32, i32
  }
  func.func @transform_9(%arg0: i32) -> (i32, i32) {
    %c0_i32 = arith.constant 0 : i32
    %c0_i32_0 = arith.constant 0 : i32
    %c0_i32_1 = arith.constant 0 : i32
    return %c0_i32, %c0_i32_0 : i32, i32
  }
  func.func @transform_10(%arg0: i32) -> (i32, i32) {
    %c0_i32 = arith.constant 0 : i32
    %c0_i32_0 = arith.constant 0 : i32
    return %arg0, %c0_i32 : i32, i32
  }
  func.func @transform_11(%arg0: i32) -> (i32, i32) {
    %c0_i32 = arith.constant 0 : i32
    %c0_i32_0 = arith.constant 0 : i32
    return %arg0, %c0_i32 : i32, i32
  }
}

module attributes {stable_mosaic.version = 14 : i64} {
  func.func @_l2_body(%arg0: i32, %arg1: memref<1000x1xf32, #tpu.memory_space<vmem>>, %arg2: memref<1000x128xf32, #tpu.memory_space<vmem>>, %arg3: memref<1000x128xf32, #tpu.memory_space<vmem>>, %arg4: memref<1000x128xf32, #tpu.memory_space<vmem>>, %arg5: memref<1000x128xf32, #tpu.memory_space<vmem>>, %arg6: memref<256x512xf32, #tpu.memory_space<vmem>>, %arg7: memref<256x512xf32, #tpu.memory_space<vmem>>, %arg8: memref<1x512xf32, #tpu.memory_space<vmem>>, %arg9: memref<1000x512xf32, #tpu.memory_space<vmem>>) attributes {dimension_semantics = [#tpu.dimension_semantics<arbitrary>], iteration_bounds = array<i64: 10>, scalar_prefetch = 0 : i64, scratch_operands = 0 : i64, tpu.core_type = #tpu.core_type<tc>, window_params = [{transform_indices = @transform_0, window_bounds = array<i64: 1000, 1>}, {transform_indices = @transform_1, window_bounds = array<i64: 1000, 128>}, {transform_indices = @transform_2, window_bounds = array<i64: 1000, 128>}, {transform_indices = @transform_3, window_bounds = array<i64: 1000, 128>}, {transform_indices = @transform_4, window_bounds = array<i64: 1000, 128>}, {pipeline_mode = #tpu.pipeline_mode<synchronous>, transform_indices = @transform_5, window_bounds = array<i64: 256, 512>}, {pipeline_mode = #tpu.pipeline_mode<synchronous>, transform_indices = @transform_6, window_bounds = array<i64: 256, 512>}, {pipeline_mode = #tpu.pipeline_mode<synchronous>, transform_indices = @transform_7, window_bounds = array<i64: 1, 512>}, {transform_indices = @transform_8, window_bounds = array<i64: 1000, 512>}]} {
    %get3A = arith.constant 0 : index
    %get3A_0 = arith.constant 0 : index
    %get3A_1 = vector.load %arg1[%get3A, %get3A_0] : memref<1000x1xf32, #tpu.memory_space<vmem>>, vector<1000x1xf32>
    %max3A = arith.constant 1.000000e+00 : f32
    %max3A_2 = vector.broadcast %max3A : f32 to vector<1000x1xf32>
    %max3A_3 = arith.maximumf %get3A_1, %max3A_2 : vector<1000x1xf32>
    %div3A = arith.constant 1.000000e+00 : f32
    %div3A_4 = vector.broadcast %div3A : f32 to vector<1000x1xf32>
    %div3A_5 = arith.divf %div3A_4, %max3A_3 : vector<1000x1xf32>
    %get3A_6 = arith.constant 0 : index
    %get3A_7 = arith.constant 0 : index
    %get3A_8 = vector.load %arg2[%get3A_6, %get3A_7] : memref<1000x128xf32, #tpu.memory_space<vmem>>, vector<1000x128xf32>
    %mul3A = vector.broadcast %div3A_5 : vector<1000x1xf32> to vector<1000x128xf32>
    %mul3A_9 = arith.mulf %get3A_8, %mul3A : vector<1000x128xf32>
    %get3A_10 = arith.constant 0 : index
    %get3A_11 = arith.constant 0 : index
    %get3A_12 = vector.load %arg3[%get3A_10, %get3A_11] : memref<1000x128xf32, #tpu.memory_space<vmem>>, vector<1000x128xf32>
    %mul3A_13 = vector.broadcast %div3A_5 : vector<1000x1xf32> to vector<1000x128xf32>
    %mul3A_14 = arith.mulf %get3A_12, %mul3A_13 : vector<1000x128xf32>
    %concatenate3A = tpu.concatenate %mul3A_9, %mul3A_14 in 1 : vector<1000x128xf32>, vector<1000x128xf32> -> vector<1000x256xf32>
    %get3A_15 = arith.constant 0 : index
    %get3A_16 = arith.constant 0 : index
    %get3A_17 = vector.load %arg4[%get3A_15, %get3A_16] : memref<1000x128xf32, #tpu.memory_space<vmem>>, vector<1000x128xf32>
    %get3A_18 = arith.constant 0 : index
    %get3A_19 = arith.constant 0 : index
    %get3A_20 = vector.load %arg5[%get3A_18, %get3A_19] : memref<1000x128xf32, #tpu.memory_space<vmem>>, vector<1000x128xf32>
    %concatenate3A_21 = tpu.concatenate %get3A_17, %get3A_20 in 1 : vector<1000x128xf32>, vector<1000x128xf32> -> vector<1000x256xf32>
    %get3A_22 = arith.constant 0 : index
    %get3A_23 = arith.constant 0 : index
    %get3A_24 = vector.load %arg6[%get3A_22, %get3A_23] : memref<256x512xf32, #tpu.memory_space<vmem>>, vector<256x512xf32>
    %dot_general3A = arith.constant dense<0.000000e+00> : vector<1000x512xf32>
    %dot_general3A_25 = tpu.matmul %concatenate3A, %get3A_24, %dot_general3A {dimension_numbers = #tpu.dot_dimension_numbers<[1], [0], [0], [1], [0, 0, 1, 1], [], []>, transpose_lhs_hint = false} : vector<1000x256xf32>, vector<256x512xf32>, vector<1000x512xf32> -> vector<1000x512xf32>
    %get3A_26 = arith.constant 0 : index
    %get3A_27 = arith.constant 0 : index
    %get3A_28 = vector.load %arg7[%get3A_26, %get3A_27] : memref<256x512xf32, #tpu.memory_space<vmem>>, vector<256x512xf32>
    %dot_general3A_29 = arith.constant dense<0.000000e+00> : vector<1000x512xf32>
    %dot_general3A_30 = tpu.matmul %concatenate3A_21, %get3A_28, %dot_general3A_29 {dimension_numbers = #tpu.dot_dimension_numbers<[1], [0], [0], [1], [0, 0, 1, 1], [], []>, transpose_lhs_hint = false} : vector<1000x256xf32>, vector<256x512xf32>, vector<1000x512xf32> -> vector<1000x512xf32>
    %add3A = arith.addf %dot_general3A_25, %dot_general3A_30 : vector<1000x512xf32>
    %get3A_31 = arith.constant 0 : index
    %get3A_32 = arith.constant 0 : index
    %get3A_33 = vector.load %arg8[%get3A_31, %get3A_32] : memref<1x512xf32, #tpu.memory_space<vmem>>, vector<1x512xf32>
    %add3A_34 = vector.broadcast %get3A_33 : vector<1x512xf32> to vector<1000x512xf32>
    %add3A_35 = arith.addf %add3A, %add3A_34 : vector<1000x512xf32>
    %swap3A = arith.constant 0 : index
    %swap3A_36 = arith.constant 0 : index
    %swap3A_37 = vector.load %arg9[%swap3A, %swap3A_36] : memref<1000x512xf32, #tpu.memory_space<vmem>>, vector<1000x512xf32>
    tpu.vector_store %arg9[%swap3A, %swap3A_36], %add3A_35 {strides = array<i32>} : memref<1000x512xf32, #tpu.memory_space<vmem>>, vector<1000x512xf32>,
    return
  }
  func.func @transform_0(%arg0: i32) -> (i32, i32) {
    %c0_i32 = arith.constant 0 : i32
    %c0_i32_0 = arith.constant 0 : i32
    return %arg0, %c0_i32 : i32, i32
  }
  func.func @transform_1(%arg0: i32) -> (i32, i32) {
    %c0_i32 = arith.constant 0 : i32
    %c0_i32_0 = arith.constant 0 : i32
    return %arg0, %c0_i32 : i32, i32
  }
  func.func @transform_2(%arg0: i32) -> (i32, i32) {
    %c0_i32 = arith.constant 0 : i32
    %c0_i32_0 = arith.constant 0 : i32
    return %arg0, %c0_i32 : i32, i32
  }
  func.func @transform_3(%arg0: i32) -> (i32, i32) {
    %c0_i32 = arith.constant 0 : i32
    %c0_i32_0 = arith.constant 0 : i32
    return %arg0, %c0_i32 : i32, i32
  }
  func.func @transform_4(%arg0: i32) -> (i32, i32) {
    %c0_i32 = arith.constant 0 : i32
    %c0_i32_0 = arith.constant 0 : i32
    return %arg0, %c0_i32 : i32, i32
  }
  func.func @transform_5(%arg0: i32) -> (i32, i32) {
    %c0_i32 = arith.constant 0 : i32
    %c0_i32_0 = arith.constant 0 : i32
    %c0_i32_1 = arith.constant 0 : i32
    return %c0_i32, %c0_i32_0 : i32, i32
  }
  func.func @transform_6(%arg0: i32) -> (i32, i32) {
    %c0_i32 = arith.constant 0 : i32
    %c0_i32_0 = arith.constant 0 : i32
    %c0_i32_1 = arith.constant 0 : i32
    return %c0_i32, %c0_i32_0 : i32, i32
  }
  func.func @transform_7(%arg0: i32) -> (i32, i32) {
    %c0_i32 = arith.constant 0 : i32
    %c0_i32_0 = arith.constant 0 : i32
    %c0_i32_1 = arith.constant 0 : i32
    return %c0_i32, %c0_i32_0 : i32, i32
  }
  func.func @transform_8(%arg0: i32) -> (i32, i32) {
    %c0_i32 = arith.constant 0 : i32
    %c0_i32_0 = arith.constant 0 : i32
    return %arg0, %c0_i32 : i32, i32
  }
}

</mosaic_0001>

<sc_bundles>
// kernel: kernel.6.cloned.1.call-start
scs
__scs_entry_jumppad:
0x0: {  	(pc) =	sbr.rel $0x88, $3  }
0x1: {  	(tag) =	ssettag $0x0;
	lr =	simm.s32 $0x1  }
0x2: {  	[smem:$0x3F97] =	sst lr;
	_ =	strace $0xD0000000  }
0x3: {  	_ = 	snop  }
0x4: {  	_ = 	snop  }
0x5: {  	_ = 	snop  }
0x6: {  	_ = 	snop  }
0x7: {  	_ = 	snop  }
__scs_overlays_trampoline_lowered:
0x8: {  	[smem:$0x3FA6] =	sst s0  }
0x9: {  	[smem:$0x3FA7] =	sst s1  }
0xa: {  	[smem:$0x3FA8] =	sst s2  }
0xb: {  	[smem:$0x3FA9] =	sst s3  }
0xc: {  	[smem:$0x3FAA] =	sst s4  }
0xd: {  	[smem:$0x3FAB] =	sst s5  }
0xe: {  	[smem:$0x3FAC] =	sst s6  }
0xf: {  	[smem:$0x3FAD] =	sst s7  }
0x10: {  	[smem:$0x3FAE] =	sst s8  }
0x11: {  	[smem:$0x3FAF] =	sst s9;
	s0 =	simm.s32 @!p0 $0x0  }
0x12: {  	s1 =	sld [smem:$0x3F95];
	s0 =	simm.s32 @p0 $0x1  }
0x13: {  	[smem:$0x3FB0] =	sst s0;
	s0 =	simm.s32 @!p1 $0x0  }
0x14: {  	s2 =	sld [smem:$0x3F94];
	s0 =	simm.s32 @p1 $0x1  }
0x15: {  	[smem:$0x3FB1] =	sst s0;
	s0 =	simm.s32 @!p2 $0x0  }
0x16: {  	s3 =	sld [smem:$0x3FDB];
	s0 =	simm.s32 @p2 $0x1  }
0x17: {  	s4 =	simm.s32 $0x1BF5;
	[smem:$0x3FB3] =	sst s0  }
0x18: {  	s0 =	sld [smem:$0x3F96];
	_ =	swait.ge [sflag:s4], $0x0  }
0x19: {  	s7 =	sld [smem:$0x3F97]  }
0x1a: {  	s8 =	sadd.s32 $0xFFFFE003, lr  }
0x1b: {  	s9 =	sadd.s32 $0xFFFFFEF7, lr;
	s5 =	simm.s32 $0xFFFFFFFF;
	p2 =	slt.u32 s8, $0xFFFFF086  }
0x1c: {  	p1 =	slt.u32 s9, $0xF7A;
	s5 =	simm.s32 @!p2 $0x0  }
0x1d: {  	s5 =	simm.s32 @p1 $0x1;
	p0 =	seq.s32 s7, s2  }
0x1e: {  	s7 =	smul.u32 @!p0 $0xF7A, s2;
	p2 =	seq.s32 @!p0 s5, $0x0  }
0x1f: {  	s9 =	smul.u32 $0xF7A, s1;
	s8 =	simm.s32 @!p0 $0x1BF5;
	p2 =	por !p2, p0  }
0x20: {  	[sflag:s8] =	ssyncset.s32 @!p0 $0xFFFFF086;
	s6 =	sadd.s32 @!p0 s3, s7;
	s7 =	simm.s32 @!p0 $0x108  }
0x21: {  	s3 =	sadd.s32 s3, s9;
	s6 =	sadd.s32 @!p0 $0x88, s6;
	s7 =	simm.s32 @p2 $0x1082  }
0x22: {  	[simem:s7], [sflag:s8] =	dma.local @!p0 [hbm:s6], $0xF7A  }
0x23: {  	s9 =	sor.u32 $0xD0000000, s2;
	s6 =	simm.s32 $0x108;
	_ =	swait.ge @!p0 [sflag:s8], $0x0  }
0x24: {  	s3 =	sadd.s32 $0x88, s3;
	s6 =	simm.s32 @!p1 $0x1082;
	[sflag:s4] =	ssyncset.s32 $0xFFFFF086  }
0x25: {  	[simem:s6], [sflag:s4] =	dma.local [hbm:s3], $0xF7A  }
0x26: {  	[smem:$0x3F97] =	sst s1;
	(tag) =	ssettag s2;
	_ =	strace s9  }
0x27: {  	s1 =	sld [smem:$0x3FA7]  }
0x28: {  	s2 =	sld [smem:$0x3FA8]  }
0x29: {  	s4 =	sld [smem:$0x3FAA]  }
0x2a: {  	p0 =	seq.s32 s5, $0x0;
	s5 =	sld [smem:$0x3FAB]  }
0x2b: {  	s6 =	sld [smem:$0x3FAC]  }
0x2c: {  	s7 =	sld [smem:$0x3FAD]  }
0x2d: {  	s3 =	simm.s32 $0x108;
	s8 =	sld [smem:$0x3FAE]  }
0x2e: {  	s3 =	simm.s32 @!p0 $0x1082;
	s9 =	sld [smem:$0x3FAF]  }
0x2f: {  	lr =	sadd.s32 s0, s3;
	s0 =	sld [smem:$0x3FA6]  }
0x30: {  	s3 =	sld [smem:$0x3FA9]  }
0x31: {  	[smem:$0x3FB2] =	sst s10  }
0x32: {  	s10 =	sld [smem:$0x3FB0];
	_ =	sdelay $0x3  }
0x33: {  	p0 =	seq.s32 s10, $0x1;
	s10 =	sld [smem:$0x3FB2];
	_ =	sdelay $0x3  }
0x34: {  	[smem:$0x3FB2] =	sst s10  }
0x35: {  	s10 =	sld [smem:$0x3FB1];
	_ =	sdelay $0x3  }
0x36: {  	p1 =	seq.s32 s10, $0x1;
	s10 =	sld [smem:$0x3FB2];
	_ =	sdelay $0x3  }
0x37: {  	[smem:$0x3FB2] =	sst s10  }
0x38: {  	s10 =	sld [smem:$0x3FB3]  }
0x39: {  	_ = 	snop;
	(pc) =	sbr.ind lr, $3  }
0x3a: {  	_ = 	snop  }
0x3b: {  	_ = 	snop  }
0x3c: {  	p2 =	seq.s32 s10, $0x1;
	s10 =	sld [smem:$0x3FB2]  }
0x3d: {  	_ =	shalt  }
0x3e: {  	_ =	shalt  }
0x3f: {  	_ =	shalt  }
0x40: {  	_ =	shalt  }
0x41: {  	_ =	shalt  }
0x42: {  	_ =	shalt  }
0x43: {  	_ =	shalt  }
0x44: {  	_ =	shalt  }
0x45: {  	_ =	shalt  }
0x46: {  	_ =	shalt  }
0x47: {  	_ =	shalt  }
0x48: {  	_ =	shalt  }
0x49: {  	_ =	shalt  }
0x4a: {  	_ =	shalt  }
0x4b: {  	_ =	shalt  }
0x4c: {  	_ =	shalt  }
0x4d: {  	_ =	shalt  }
0x4e: {  	_ =	shalt  }
0x4f: {  	_ =	shalt  }
0x50: {  	_ =	shalt  }
0x51: {  	_ =	shalt  }
0x52: {  	_ =	shalt  }
0x53: {  	_ =	shalt  }
0x54: {  	_ =	shalt  }
0x55: {  	_ =	shalt  }
0x56: {  	_ =	shalt  }
0x57: {  	_ =	shalt  }
0x58: {  	_ =	shalt  }
0x59: {  	_ =	shalt  }
0x5a: {  	_ =	shalt  }
0x5b: {  	_ =	shalt  }
0x5c: {  	_ =	shalt  }
0x5d: {  	_ =	shalt  }
0x5e: {  	_ =	shalt  }
0x5f: {  	_ =	shalt  }
0x60: {  	_ =	shalt  }
0x61: {  	_ =	shalt  }
0x62: {  	_ =	shalt  }
0x63: {  	_ =	shalt  }
0x64: {  	_ =	shalt  }
0x65: {  	_ =	shalt  }
0x66: {  	_ =	shalt  }
0x67: {  	_ =	shalt  }
0x68: {  	_ =	shalt  }
0x69: {  	_ =	shalt  }
0x6a: {  	_ =	shalt  }
0x6b: {  	_ =	shalt  }
0x6c: {  	_ =	shalt  }
0x6d: {  	_ =	shalt  }
0x6e: {  	_ =	shalt  }
0x6f: {  	_ =	shalt  }
0x70: {  	_ =	shalt  }
0x71: {  	_ =	shalt  }
0x72: {  	_ =	shalt  }
0x73: {  	_ =	shalt  }
0x74: {  	_ =	shalt  }
0x75: {  	_ =	shalt  }
0x76: {  	_ =	shalt  }
0x77: {  	_ =	shalt  }
0x78: {  	_ =	shalt  }
0x79: {  	_ =	shalt  }
0x7a: {  	_ =	shalt  }
0x7b: {  	_ =	shalt  }
0x7c: {  	_ =	shalt  }
0x7d: {  	_ =	shalt  }
0x7e: {  	_ =	shalt  }
0x7f: {  	_ =	shalt  }
0x80: {  	_ =	shalt  }
0x81: {  	_ =	shalt  }
0x82: {  	_ =	shalt  }
0x83: {  	_ =	shalt  }
0x84: {  	_ =	shalt  }
0x85: {  	_ =	shalt  }
0x86: {  	_ =	shalt  }
0x87: {  	_ =	shalt  }
.Lfunc_end0:
.L_simem_size_0:
called_computation_lowered:
.L_overlay_start_0:
0x88: {  	s2 =	sld [smem:$0x3FD9]  }
0x89: {  	s3 =	sld [smem:$0x3FFE];
	_ =	sdelay $0x1  }
0x8a: {  	s1 =	srdreg.scid  }
0x8b: {  	s0 =	sand.u32 $0x1, s1  }
0x8c: {  	s17 =	sshll.u32 s0, $0xA;
	s2 =	sadd.s32 s3, s2  }
0x8d: {  	s2 =	sadd.s32 s2, s17  }
0x8e: {  	[smem:$0x3FBE] =	sst s2  }
0x8f: {  	_ = 	snop  }
0x90: {  	s2 =	sld [smem:$0x3FD0];
	(tm) =	ssettm $0x1  }
0x91: {  	s18 =	sld [smem:$0x3FFB];
	_ =	sdelay $0x3  }
0x92: {  	_ =	strace s18  }
0x93: {  	s3 =	sld [smem:$0x3FFC];
	_ =	sdelay $0x3  }
0x94: {  	_ =	strace s3  }
0x95: {  	s3 =	sld [smem:$0x3FFD];
	_ =	sdelay $0x3  }
0x96: {  	_ =	strace s3  }
0x97: {  	_ =	strace $0x8FFFFFFF  }
0x98: {  	s19 =	sld [smem:$0x3FDB];
	_ =	sdelay $0x1  }
0x99: {  	s4 =	simm.s32 $_scs_section_size  }
0x9a: {  	s5 =	simm.s32 $_size__tile_overlayer_lowered;
	s6 =	simm.s32 $_tile_overlayer_lowered  }
0x9b: {  	s22 =	simm.s32 $0x1BFF;
	s21 =	sshll.u32 s6, $0x1;
	s3 =	sadd.s32 s4, s19  }
0x9c: {  	s7 =	simm.s32 $0x0;
	s20 =	sshll.u32 s5, $0x1;
	s5 =	sadd.s32 s21, s3  }
0x9d: {  	[timem:s7], [sflag:s22] =	dma.local [hbm:s5], s20  }
0x9e: {  	_ =	swait.ge [sflag:s22], s20  }
0x9f: {  	s4 =	ssub.s32 $0x0, s20;
	[sflag:s22] =	ssyncset.done $0x0  }
0xa0: {  	[sflag:s22] =	ssyncadd.s32 s4;
	_ =	sdelay $0x1  }
0xa1: {  	s23 =	simm.s32 $0x1B8B  }
0xa2: {  	_ =	swait.ge [sflag:s23], $0x1  }
0xa3: {  	[sflag:s23] =	ssyncset.done $0x0  }
0xa4: {  	s25 =	simm.s32 $0x1B8E;
	s24 =	sld [smem:$0x3FFE];
	[sflag:s23] =	ssyncadd.s32 $0xFFFFFFFF  }
0xa5: {  	s26 =	simm.s32 $execute0_lowered;
	[smem:$0x3FD2] =	sst s25  }
0xa6: {  	s5 =	sshll.u32 s26, $0x1;
	_ =	strace $0x80000046;
	[dreg:$0x1] =	wrdreg $0xFFFFFFFF  }
0xa7: {  	s28 =	simm.s32 $_size_execute0_lowered;
	s3 =	sadd.s32 s3, s5;
	[dreg:$0x0] =	wrdreg $0x0  }
0xa8: {  	s5 =	sshll.u32 s28, $0x1;
	[dreg:$0x2] =	wrdreg s3  }
0xa9: {  	[dreg:$0x3] =	wrdreg s5  }
0xaa: {  	[dreg:$0x4] =	wrdreg $0xC0  }
0xab: {  	_ =	task [dreg:s7], $0x5FFFF  }
0xac: {  	[dreg:$0x1] =	wrdreg $0xFFFFFFFF  }
0xad: {  	[dreg:$0x0] =	wrdreg $0x60  }
0xae: {  	[dreg:$0x2] =	wrdreg s24  }
0xaf: {  	[dreg:$0x3] =	wrdreg s2  }
0xb0: {  	[dreg:$0x4] =	wrdreg $0x0  }
0xb1: {  	[dreg:$0x5] =	wrdreg $0x1EB800  }
0xb2: {  	[dreg:$0x6] =	wrdreg $0x9  }
0xb3: {  	_ =	task.clear_ibuf [dreg:s7], $0x7FFFF;
	_ =	strace $0x90000046  }
0xb4: {  	s29 =	simm.s32 $0x9;
	_ =	strace $0x80000048  }
0xb5: {  	_ =	swait.ge [sflag:s29], $0x1  }
0xb6: {  	[sflag:s29] =	ssyncadd.s32 $0xFFFFFFFF  }
0xb7: {  	_ =	strace $0x90000048  }
0xb8: {  	_ =	sfence  }
0xb9: {  	s30 =	sld [smem:$0x0];
	_ =	sdelay $0x2  }
0xba: {  	s31 =	sshll.u32 s1, $0xD;
	s1 =	sshrl.u32 s1, $0x2  }
0xbb: {  	s3 =	sand.u32 $0x4000, s31;
	s1 =	sadd.s32 s1, s30  }
0xbc: {  	s0 =	sor.u32 s3, s0;
	s1 =	sshll.u32 s1, $0x11  }
0xbd: {  	s0 =	sor.u32 s1, s0  }
0xbe: {  	s0 =	sadd.s32 $0x8F2B, s0  }
0xbf: {  	[sflag:s0] =	ssyncadd.remote.s32 $0x1  }
0xc0: {  	_ =	sfence.sel $0xFFFF  }
0xc1: {  	[dreg:$0x0] =	wrdreg $0xFFFFFFFF;
	(pc) =	sbr.abs _section_cstart, $3  }
0xc2: {  	[dreg:$0x1] =	wrdreg $0xFFFFFFFF  }
0xc3: {  	_ =	task.clear_ibuf [dreg:s7], $0x2FFFF;
	_ =	strace $0x9FFFFFFF  }
0xc4: {  	(tm) =	ssettm $0x7FFFFFFF  }
0xc5: {  	_ =	shalt  }
tec
execute0_lowered:
.L_overlay_start_1:
0x0: {  	(tag) =	ssettag $0x1  }
0x1: {  	s0 =	rddreg [dreg:$0x0]  }
0x2: {  	s1 =	rddreg [dreg:$0x1]  }
0x3: {  	s2 =	rddreg [dreg:$0x2];
	s3 =	simm.s32 $0x0  }
0x4: {  	[smem:$0x7FF] =	sst s3;
	s3 =	stileid.u32  }
0x5: {  	s4 =	rddreg [dreg:$0x3];
	s7 =	smul.u32 $0x4E2, s3  }
0x6: {  	s8 =	srdreg.scid;
	s9 =	smul.u32 $0x3E8, s3  }
0x7: {  	s6 =	sadd.s32 $0xC800, s0;
	s8 =	sand.u32 $0x1, s8;
	s10 =	smul.u32 $0x3E80, s3  }
0x8: {  	_ =	strace $0x80000047;
	s11 =	ssub.s32 $0x2, s8;
	s14 =	smul.u32 $0x7D000, s3  }
0x9: {  	s13 =	sshrl.u32 s11, $0x1;
	s7 =	sadd.s32 s7, s0;
	s22 =	sadd.s32 s9, s4  }
0xa: {  	s12 =	sshrl.u32 s9, $0x3;
	s5 =	sadd.s32 $0x7800, s7;
	[dreg:$0x7] =	wrdreg s22  }
0xb: {  	s15 =	sadd.s32 s10, s0;
	s20 =	sadd.s32 $0x2800, s7;
	[dreg:$0x5] =	wrdreg s5  }
0xc: {  	s11 =	ssub.s32 s11, s13;
	s23 =	sadd.s32 $0x5B200, s15;
	[dreg:$0x6] =	wrdreg s20  }
0xd: {  	s21 =	sshrl.u32 s14, $0x2;
	s24 =	sadd.s32 $0x34000, s15;
	[dreg:$0x8] =	wrdreg s23  }
0xe: {  	s0 =	sadd.s32 s12, s0;
	s25 =	smax.u32 s11, $0x1;
	[dreg:$0x9] =	wrdreg s24  }
0xf: {  	s10 =	sadd.s32 s21, s2;
	s0 =	sadd.s32 $0x33A00, s0;
	[dreg:$0xb] =	wrdreg s25  }
0x10: {  	s26 =	sadd.s32 $0x1400, s10;
	[dreg:$0xa] =	wrdreg s0  }
0x11: {  	s29 =	sadd.s32 $0x2800, s10;
	[dreg:$0xc] =	wrdreg s26  }
0x12: {  	s31 =	sadd.s32 $0x3C00, s10;
	[dreg:$0xd] =	wrdreg s29  }
0x13: {  	s5 =	sadd.s32 $0x5000, s10;
	[dreg:$0xe] =	wrdreg s31  }
0x14: {  	s7 =	sadd.s32 $0x6400, s10;
	[dreg:$0xf] =	wrdreg s5  }
0x15: {  	s9 =	sadd.s32 $0x7800, s10;
	[dreg:$0x10] =	wrdreg s7  }
0x16: {  	s11 =	sadd.s32 $0x8C00, s10;
	[dreg:$0x11] =	wrdreg s9  }
0x17: {  	s12 =	sadd.s32 $0xA000, s10;
	[dreg:$0x12] =	wrdreg s11  }
0x18: {  	s13 =	sadd.s32 $0xB400, s10;
	[dreg:$0x13] =	wrdreg s12  }
0x19: {  	s14 =	sadd.s32 $0xC800, s10;
	[dreg:$0x14] =	wrdreg s13  }
0x1a: {  	s15 =	sadd.s32 $0xDC00, s10;
	[dreg:$0x15] =	wrdreg s14  }
0x1b: {  	s16 =	sadd.s32 $0xF000, s10;
	[dreg:$0x16] =	wrdreg s15  }
0x1c: {  	s17 =	sadd.s32 $0x10400, s10;
	[dreg:$0x17] =	wrdreg s16  }
0x1d: {  	s18 =	sadd.s32 $0x11800, s10;
	[dreg:$0x18] =	wrdreg s17  }
0x1e: {  	s19 =	sadd.s32 $0x12C00, s10;
	[dreg:$0x19] =	wrdreg s18  }
0x1f: {  	s20 =	sadd.s32 $0x14000, s10;
	[dreg:$0x1a] =	wrdreg s19  }
0x20: {  	s21 =	sadd.s32 $0x15400, s10;
	[dreg:$0x1b] =	wrdreg s20  }
0x21: {  	s22 =	sadd.s32 $0x16800, s10;
	[dreg:$0x1c] =	wrdreg s21  }
0x22: {  	s28 =	simm.s32 $0x50;
	s23 =	sadd.s32 $0x17C00, s10;
	[dreg:$0x1d] =	wrdreg s22  }
0x23: {  	s30 =	simm.s32 $0x4;
	s24 =	sadd.s32 $0x19000, s10;
	[dreg:$0x1e] =	wrdreg s23  }
0x24: {  	p0 =	seq.s32 s8, $0x0;
	s25 =	sadd.s32 $0x1A400, s10;
	[dreg:$0x1f] =	wrdreg s24  }
0x25: {  	p1 =	sgt.u32 s3, $0x9;
	[smem:$0x7FA] =	sst s25;
	s26 =	sadd.s32 $0x1B800, s10  }
0x26: {  	s29 =	sadd.s32 $0x1CC00, s10;
	s31 =	sadd.s32 $0x1E000, s10;
	s13 =	simm.s32 $0x13880  }
0x27: {  	s23 =	simm.s32 $0x7;
	s14 =	simm.s32 $0x16000;
	s25 =	simm.s32 $0x1D780  }
0x28: {  	s17 =	simm.s32 $0x18780;
	s15 =	simm.s32 $0x1AF80;
	[smem:$0x7FB] =	sst s26  }
0x29: {  	s0 =	simm.s32 $0x2;
	s16 =	simm.s32 $0x3;
	[smem:$0x7FC] =	sst s29  }
0x2a: {  	v0 =	vimm.f32 $0.0e+00;
	v1 =	vimm.f32 $1.000000000e+00;
	s18 =	simm.s32 $0x0;
	[smem:$0x7FD] =	sst s31;
	s26 =	simm.s32 $0x1  }
.LBB2_1:
0x2b: {  	s5 =	simm.s32 $0x0;
	s7 =	rddreg [dreg:$0x5]  }
0x2c: {  	[tilespmem:s13], [sflag:$0x7] =	stream.linear.gather [hbm4b:s7+s5], $0x2710, $0x38;
	[tilespmem:$0x1F278] =	vst v63  }
0x2d: {  	s31 =	simm.s32 $0x0;
	_ =	swait.ge [sflag:s23], $0x2710  }
0x2e: {  	s8 =	sand.u32 $0xFFFFFF80, s31;
	s7 =	sand.u32 $0x3FFFFF80, s31;
	[sflag:s23] =	ssyncset.done $0x0  }
0x2f: {  	s8 =	ssub.s32 $0x0, s8;
	s29 =	rddreg [dreg:$0x6];
	[sflag:s23] =	ssyncadd.s32 $0xFFFFD8F0  }
0x30: {  	[tilespmem:s14], [sflag:$0x7] =	stream.linear.gather [hbm4b:s29+s5], $0x2710, $0x38;
	[tilespmem:$0x1F278] =	vst v63  }
0x31: {  	s9 =	sand.u32 $0x70, s5;
	s8 =	sand.u32 $0xFFFFFF80, s8;
	_ =	swait.ge [sflag:s23], $0x2710  }
0x32: {  	s8 =	sadd.s32 s8, s7;
	s7 =	simm.s32 $0x1;
	[sflag:s23] =	ssyncset.done $0x0  }
0x33: {  	s9 =	sor.u32 s9, s8;
	s8 =	simm.s32 $0x0;
	[sflag:s23] =	ssyncadd.s32 $0xFFFFD8F0  }
.LBB2_2:
0x34: {  	s11 =	sshll.u32 s7, $0x4;
	p2 =	sne.s32 s7, $0x13F;
	s7 =	sadd.s32 $0x1, s7;
	[tilespmem:s9+$0x1D780] =	vst v0  }
.Ltmp0:
0x35: {  	s8 =	sadd.s32 $0x10, s8;
	s9 =	sand.u32 $0xFFFFFF80, s11;
	(pc) =	sbr.rel @p2 .LBB2_2-.Ltmp0, $4  }
0x36: {  	s9 =	ssub.s32 s8, s9  }
0x37: {  	s11 =	sand.u32 $0x3FFFFF80, s11;
	s9 =	sand.u32 $0xFFFFFF80, s9  }
0x38: {  	s12 =	sand.u32 $0x70, s8;
	s9 =	sadd.s32 s9, s11  }
0x39: {  	s9 =	sor.u32 s12, s9  }
0x3a: {  	[tilespmem:s9+$0x1D780] =	vst v0;
	s7 =	simm.s32 $0x40;
	s8 =	simm.s32 $0x0  }
.LBB2_4:
0x3b: {  	p2 =	sne.s32 s7, $0xF40;
	[tilespmem:s8+$0x1EE78] =	vst v0;
	s8 =	smov.u32 s7;
	s7 =	sadd.s32 $0x40, s7  }
.Ltmp1:
0x3c: {  	(pc) =	sbr.rel @p2 .LBB2_4-.Ltmp1, $2  }
0x3d: {  	_ =	sdelay $0x2  }
0x3e: {  	s8 =	sshra.s32 s8, $0x2  }
0x3f: {  	[tilespmem:s8+$0x1EE78] =	vst v0  }
0x40: {  	[tilespmem:$0x1F250] =	vst v0  }
0x41: {  	[tilespmem:$0x1EDF8] =	vst v1  }
0x42: {  	[tilespmem:$0x1EE08] =	vst v1  }
0x43: {  	[tilespmem:$0x1EE18] =	vst v1  }
.Ltmp2:
0x44: {  	[tilespmem:$0x1EE28] =	vst v1;
	(pc) =	sbr.rel @p1 .LBB2_8-.Ltmp2, $4  }
0x45: {  	[tilespmem:$0x1EE38] =	vst v1  }
0x46: {  	[tilespmem:$0x1EE48] =	vst v1  }
0x47: {  	[tilespmem:$0x1EE58] =	vst v1  }
0x48: {  	[tilespmem:$0x1EE68] =	vst v1  }
0x49: {  	[spmem:s10] =	stream.linear.scatter [tilespmem:s25], [sflag:$0x1], $0x1400, $0x38;
	[tilespmem:$0x1F278] =	vst v63  }
0x4a: {  	s5 =	rddreg [dreg:$0xc]  }
0x4b: {  	s8 =	rddreg [dreg:$0xd]  }
0x4c: {  	[spmem:s5] =	stream.linear.scatter [tilespmem:s25], [sflag:$0x1], $0x1400, $0x38;
	[tilespmem:$0x1F278] =	vst v63  }
0x4d: {  	s9 =	rddreg [dreg:$0xe]  }
0x4e: {  	[spmem:s8] =	stream.linear.scatter [tilespmem:s25], [sflag:$0x1], $0x1400, $0x38;
	[tilespmem:$0x1F278] =	vst v63  }
0x4f: {  	s11 =	rddreg [dreg:$0xf]  }
0x50: {  	[spmem:s9] =	stream.linear.scatter [tilespmem:s25], [sflag:$0x1], $0x1400, $0x38;
	[tilespmem:$0x1F278] =	vst v63  }
0x51: {  	s12 =	rddreg [dreg:$0x10]  }
0x52: {  	[spmem:s11] =	stream.linear.scatter [tilespmem:s25], [sflag:$0x1], $0x1400, $0x38;
	[tilespmem:$0x1F278] =	vst v63  }
0x53: {  	s19 =	rddreg [dreg:$0x11]  }
0x54: {  	[spmem:s12] =	stream.linear.scatter [tilespmem:s25], [sflag:$0x1], $0x1400, $0x38;
	[tilespmem:$0x1F278] =	vst v63  }
0x55: {  	s20 =	rddreg [dreg:$0x12]  }
0x56: {  	[spmem:s19] =	stream.linear.scatter [tilespmem:s25], [sflag:$0x1], $0x1400, $0x38;
	[tilespmem:$0x1F278] =	vst v63  }
0x57: {  	s21 =	rddreg [dreg:$0x13]  }
0x58: {  	[spmem:s20] =	stream.linear.scatter [tilespmem:s25], [sflag:$0x1], $0x1400, $0x38;
	[tilespmem:$0x1F278] =	vst v63  }
0x59: {  	s22 =	rddreg [dreg:$0x14]  }
0x5a: {  	[spmem:s21] =	stream.linear.scatter [tilespmem:s25], [sflag:$0x1], $0x1400, $0x38;
	[tilespmem:$0x1F278] =	vst v63  }
0x5b: {  	s24 =	rddreg [dreg:$0x15]  }
0x5c: {  	[spmem:s22] =	stream.linear.scatter [tilespmem:s25], [sflag:$0x1], $0x1400, $0x38;
	[tilespmem:$0x1F278] =	vst v63  }
0x5d: {  	s29 =	rddreg [dreg:$0x16]  }
0x5e: {  	[spmem:s24] =	stream.linear.scatter [tilespmem:s25], [sflag:$0x1], $0x1400, $0x38;
	[tilespmem:$0x1F278] =	vst v63  }
0x5f: {  	s31 =	rddreg [dreg:$0x17]  }
0x60: {  	[spmem:s29] =	stream.linear.scatter [tilespmem:s25], [sflag:$0x1], $0x1400, $0x38;
	[tilespmem:$0x1F278] =	vst v63  }
0x61: {  	s7 =	rddreg [dreg:$0x18]  }
0x62: {  	[spmem:s31] =	stream.linear.scatter [tilespmem:s25], [sflag:$0x1], $0x1400, $0x38;
	[tilespmem:$0x1F278] =	vst v63  }
0x63: {  	s8 =	rddreg [dreg:$0x19]  }
0x64: {  	[spmem:s7] =	stream.linear.scatter [tilespmem:s25], [sflag:$0x1], $0x1400, $0x38;
	[tilespmem:$0x1F278] =	vst v63  }
0x65: {  	s9 =	rddreg [dreg:$0x1a]  }
0x66: {  	[spmem:s8] =	stream.linear.scatter [tilespmem:s25], [sflag:$0x1], $0x1400, $0x38;
	[tilespmem:$0x1F278] =	vst v63  }
0x67: {  	s11 =	rddreg [dreg:$0x1b]  }
0x68: {  	[spmem:s9] =	stream.linear.scatter [tilespmem:s25], [sflag:$0x1], $0x1400, $0x38;
	[tilespmem:$0x1F278] =	vst v63  }
0x69: {  	s12 =	rddreg [dreg:$0x1c]  }
0x6a: {  	[spmem:s11] =	stream.linear.scatter [tilespmem:s25], [sflag:$0x1], $0x1400, $0x38;
	[tilespmem:$0x1F278] =	vst v63  }
0x6b: {  	s19 =	rddreg [dreg:$0x1d]  }
0x6c: {  	[spmem:s12] =	stream.linear.scatter [tilespmem:s25], [sflag:$0x1], $0x1400, $0x38;
	[tilespmem:$0x1F278] =	vst v63  }
0x6d: {  	s20 =	rddreg [dreg:$0x1e]  }
0x6e: {  	[spmem:s19] =	stream.linear.scatter [tilespmem:s25], [sflag:$0x1], $0x1400, $0x38;
	[tilespmem:$0x1F278] =	vst v63  }
0x6f: {  	s21 =	rddreg [dreg:$0x1f]  }
0x70: {  	[spmem:s20] =	stream.linear.scatter [tilespmem:s25], [sflag:$0x1], $0x1400, $0x38;
	[tilespmem:$0x1F278] =	vst v63  }
0x71: {  	s22 =	sld [smem:$0x7FA]  }
0x72: {  	[spmem:s21] =	stream.linear.scatter [tilespmem:s25], [sflag:$0x1], $0x1400, $0x38;
	[tilespmem:$0x1F278] =	vst v63  }
0x73: {  	s24 =	sld [smem:$0x7FB]  }
0x74: {  	[spmem:s22] =	stream.linear.scatter [tilespmem:s25], [sflag:$0x1], $0x1400, $0x38;
	[tilespmem:$0x1F278] =	vst v63  }
0x75: {  	s29 =	sld [smem:$0x7FC]  }
0x76: {  	[spmem:s24] =	stream.linear.scatter [tilespmem:s25], [sflag:$0x1], $0x1400, $0x38;
	[tilespmem:$0x1F278] =	vst v63  }
0x77: {  	s31 =	sld [smem:$0x7FD]  }
0x78: {  	[spmem:s29] =	stream.linear.scatter [tilespmem:s25], [sflag:$0x1], $0x1400, $0x38;
	[tilespmem:$0x1F278] =	vst v63  }
0x79: {  	_ = 	snop  }
0x7a: {  	[spmem:s31] =	stream.linear.scatter [tilespmem:s25], [sflag:$0x1], $0x1400, $0x38;
	[tilespmem:$0x1F278] =	vst v63  }
0x7b: {  	_ =	swait.ge [sflag:s26], $0x1400  }
0x7c: {  	[sflag:s26] =	ssyncset.done $0x0  }
0x7d: {  	[sflag:s26] =	ssyncadd.s32 $0xFFFFEC00  }
0x7e: {  	_ =	swait.ge [sflag:s26], $0x1400  }
0x7f: {  	[sflag:s26] =	ssyncset.done $0x0  }
0x80: {  	[sflag:s26] =	ssyncadd.s32 $0xFFFFEC00  }
0x81: {  	_ =	swait.ge [sflag:s26], $0x1400  }
0x82: {  	[sflag:s26] =	ssyncset.done $0x0  }
0x83: {  	[sflag:s26] =	ssyncadd.s32 $0xFFFFEC00  }
0x84: {  	_ =	swait.ge [sflag:s26], $0x1400  }
0x85: {  	[sflag:s26] =	ssyncset.done $0x0  }
0x86: {  	[sflag:s26] =	ssyncadd.s32 $0xFFFFEC00  }
0x87: {  	_ =	swait.ge [sflag:s26], $0x1400  }
0x88: {  	[sflag:s26] =	ssyncset.done $0x0  }
0x89: {  	[sflag:s26] =	ssyncadd.s32 $0xFFFFEC00  }
0x8a: {  	_ =	swait.ge [sflag:s26], $0x1400  }
0x8b: {  	[sflag:s26] =	ssyncset.done $0x0  }
0x8c: {  	[sflag:s26] =	ssyncadd.s32 $0xFFFFEC00  }
0x8d: {  	_ =	swait.ge [sflag:s26], $0x1400  }
0x8e: {  	[sflag:s26] =	ssyncset.done $0x0  }
0x8f: {  	[sflag:s26] =	ssyncadd.s32 $0xFFFFEC00  }
0x90: {  	_ =	swait.ge [sflag:s26], $0x1400  }
0x91: {  	[sflag:s26] =	ssyncset.done $0x0  }
0x92: {  	[sflag:s26] =	ssyncadd.s32 $0xFFFFEC00  }
0x93: {  	_ =	swait.ge [sflag:s26], $0x1400  }
0x94: {  	[sflag:s26] =	ssyncset.done $0x0  }
0x95: {  	[sflag:s26] =	ssyncadd.s32 $0xFFFFEC00  }
0x96: {  	_ =	swait.ge [sflag:s26], $0x1400  }
0x97: {  	[sflag:s26] =	ssyncset.done $0x0  }
0x98: {  	[sflag:s26] =	ssyncadd.s32 $0xFFFFEC00  }
0x99: {  	_ =	swait.ge [sflag:s26], $0x1400  }
0x9a: {  	[sflag:s26] =	ssyncset.done $0x0  }
0x9b: {  	[sflag:s26] =	ssyncadd.s32 $0xFFFFEC00  }
0x9c: {  	_ =	swait.ge [sflag:s26], $0x1400  }
0x9d: {  	[sflag:s26] =	ssyncset.done $0x0  }
0x9e: {  	[sflag:s26] =	ssyncadd.s32 $0xFFFFEC00  }
0x9f: {  	_ =	swait.ge [sflag:s26], $0x1400  }
0xa0: {  	[sflag:s26] =	ssyncset.done $0x0  }
0xa1: {  	[sflag:s26] =	ssyncadd.s32 $0xFFFFEC00  }
0xa2: {  	_ =	swait.ge [sflag:s26], $0x1400  }
0xa3: {  	[sflag:s26] =	ssyncset.done $0x0  }
0xa4: {  	[sflag:s26] =	ssyncadd.s32 $0xFFFFEC00  }
0xa5: {  	_ =	swait.ge [sflag:s26], $0x1400  }
0xa6: {  	[sflag:s26] =	ssyncset.done $0x0  }
0xa7: {  	[sflag:s26] =	ssyncadd.s32 $0xFFFFEC00  }
0xa8: {  	_ =	swait.ge [sflag:s26], $0x1400  }
0xa9: {  	[sflag:s26] =	ssyncset.done $0x0  }
0xaa: {  	[sflag:s26] =	ssyncadd.s32 $0xFFFFEC00  }
0xab: {  	_ =	swait.ge [sflag:s26], $0x1400  }
0xac: {  	[sflag:s26] =	ssyncset.done $0x0  }
0xad: {  	[sflag:s26] =	ssyncadd.s32 $0xFFFFEC00  }
0xae: {  	_ =	swait.ge [sflag:s26], $0x1400  }
0xaf: {  	[sflag:s26] =	ssyncset.done $0x0  }
0xb0: {  	[sflag:s26] =	ssyncadd.s32 $0xFFFFEC00  }
0xb1: {  	_ =	swait.ge [sflag:s26], $0x1400  }
0xb2: {  	[sflag:s26] =	ssyncset.done $0x0  }
0xb3: {  	[sflag:s26] =	ssyncadd.s32 $0xFFFFEC00  }
0xb4: {  	_ =	swait.ge [sflag:s26], $0x1400  }
0xb5: {  	[sflag:s26] =	ssyncset.done $0x0  }
0xb6: {  	[sflag:s26] =	ssyncadd.s32 $0xFFFFEC00  }
0xb7: {  	_ =	swait.ge [sflag:s26], $0x1400  }
0xb8: {  	[sflag:s26] =	ssyncset.done $0x0  }
0xb9: {  	[sflag:s26] =	ssyncadd.s32 $0xFFFFEC00  }
0xba: {  	_ =	swait.ge [sflag:s26], $0x1400  }
0xbb: {  	[sflag:s26] =	ssyncset.done $0x0  }
0xbc: {  	[sflag:s26] =	ssyncadd.s32 $0xFFFFEC00  }
0xbd: {  	_ =	swait.ge [sflag:s26], $0x1400  }
0xbe: {  	[sflag:s26] =	ssyncset.done $0x0  }
0xbf: {  	[sflag:s26] =	ssyncadd.s32 $0xFFFFEC00  }
0xc0: {  	_ =	swait.ge [sflag:s26], $0x1400  }
.Ltmp3:
0xc1: {  	[sflag:s26] =	ssyncset.done $0x0;
	(pc) =	sbr.rel @!p0 .LBB2_7-.Ltmp3, $4  }
0xc2: {  	[sflag:s26] =	ssyncadd.s32 $0xFFFFEC00  }
0xc3: {  	_ =	swait.ge [sflag:s26], $0x1400  }
0xc4: {  	[sflag:s26] =	ssyncset.done $0x0  }
0xc5: {  	[sflag:s26] =	ssyncadd.s32 $0xFFFFEC00  }
0xc6: {  	s5 =	rddreg [dreg:$0x7];
	s7 =	simm.s32 $0x1EE78  }
0xc7: {  	[spmem:s5] =	stream.linear.scatter [tilespmem:s7], [sflag:$0x7], $0x3E8, $0x38;
	[tilespmem:$0x1F278] =	vst v63  }
.Ltmp4:
0xc8: {  	_ =	swait.ge [sflag:s23], $0x3E8;
	(pc) =	sbr.rel .LBB2_11-.Ltmp4, $3  }
0xc9: {  	[sflag:s23] =	ssyncset.done $0x0  }
0xca: {  	[sflag:s23] =	ssyncadd.s32 $0xFFFFFC18  }
0xcb: {  	[bflag:$0x0] =	sbarrier.arrive $0xFFFF;
	_ =	sdelay $0x1  }
.LBB2_8:
.Ltmp5:
0xcc: {  	(pc) =	sbr.rel @!p0 .LBB2_9-.Ltmp5, $2  }
0xcd: {  	_ =	sdelay $0x1  }
0xce: {  	[bflag:$0x0] =	sbarrier.arrive $0xFFFF;
	_ =	sdelay $0x1  }
.LBB2_11:
.Ltmp6:
0xcf: {  	(pc) =	sbr.rel .LBB2_12-.Ltmp6, $4  }
0xd0: {  	_ = 	snop  }
0xd1: {  	[tilespmem:s17], [sflag:$0x1] =	stream.indirect.gather [hbm4b:s6+s28], $0x80, s13, s28, $0xb8;
	[tilespmem:$0x1F278] =	vst v63  }
0xd2: {  	s5 =	simm.s32 $0x138D0;
	p2 =	por $0x1, $0x1  }
0xd3: {  	[tilespmem:s15], [sflag:$0x2] =	stream.indirect.gather [hbm4b:s6+s28], $0x80, s5, s28, $0xb8;
	[tilespmem:$0x1F278] =	vst v63  }
.LBB2_7:
0xd4: {  	[bflag:$0x0] =	sbarrier.arrive $0xFFFF  }
.LBB2_9:
0xd5: {  	[tilespmem:s17], [sflag:$0x1] =	stream.indirect.gather [hbm4b:s1+s28], $0x80, s13, s28, $0xb8;
	[tilespmem:$0x1F278] =	vst v63  }
0xd6: {  	s5 =	simm.s32 $0x138D0;
	p2 =	por $0x0, $0x0  }
0xd7: {  	[tilespmem:s15], [sflag:$0x2] =	stream.indirect.gather [hbm4b:s1+s28], $0x80, s5, s28, $0xb8;
	[tilespmem:$0x1F278] =	vst v63  }
.LBB2_12:
0xd8: {  	_ =	swait.ge [sflag:s26], $0x2800  }
0xd9: {  	[sflag:s26] =	ssyncset.done $0x0  }
0xda: {  	[sflag:s26] =	ssyncadd.s32 $0xFFFFD800  }
0xdb: {  	[spmem:s2] =	stream.indirect.scatter.add.f32 [tilespmem:s17], [sflag:$0x3], $0x80, s14, s28, $0xb8;
	[tilespmem:$0x1F278] =	vst v63  }
0xdc: {  	s19 =	simm.s32 @p2 $0x50;
	s7 =	simm.s32 @p2 $0x16000;
	s20 =	simm.s32 @p2 $0x1EDF8  }
0xdd: {  	[spmem:s4] =	stream.indirect.scatter.add.f32 @p2 [tilespmem:s20], [sflag:$0x5], $0x1, s7, s19, $0xb8;
	[tilespmem:$0x1F278] =	vst v63  }
0xde: {  	s7 =	simm.s32 @p2 $0x3  }
0xdf: {  	_ =	swait.ge @p2 [sflag:s7], $0x2800  }
0xe0: {  	[sflag:s7] =	ssyncset.done @p2 $0x0  }
0xe1: {  	s21 =	simm.s32 @p2 $0x5;
	[sflag:s7] =	ssyncadd.s32 @p2 $0xFFFFD800  }
0xe2: {  	_ =	swait.ge @p2 [sflag:s21], $0x50  }
0xe3: {  	[sflag:s21] =	ssyncset.done @p2 $0x0  }
0xe4: {  	s17 =	simm.s32 @p2 $0x18780;
	s7 =	simm.s32 @p2 $0x13920;
	[sflag:s21] =	ssyncadd.s32 @p2 $0xFFFFFFB0  }
0xe5: {  	[tilespmem:s17], [sflag:$0x1] =	stream.indirect.gather @p2 [hbm4b:s6+s19], $0x80, s7, s19, $0xb8;
	[tilespmem:$0x1F278] =	vst v63  }
0xe6: {  	s7 =	simm.s32 @!p2 $0x3  }
0xe7: {  	_ =	swait.ge @!p2 [sflag:s7], $0x2800  }
0xe8: {  	s9 =	simm.s32 @!p2 $0x13920;
	[sflag:s7] =	ssyncset.done @!p2 $0x0  }
0xe9: {  	s8 =	simm.s32 @!p2 $0x18780;
	[sflag:s7] =	ssyncadd.s32 @!p2 $0xFFFFD800;
	s7 =	simm.s32 @!p2 $0x50  }
0xea: {  	[tilespmem:s8], [sflag:$0x1] =	stream.indirect.gather @!p2 [hbm4b:s1+s7], $0x80, s9, s7, $0xb8;
	[tilespmem:$0x1F278] =	vst v63  }
0xeb: {  	_ =	swait.ge [sflag:s0], $0x2800  }
0xec: {  	[sflag:s0] =	ssyncset.done $0x0  }
0xed: {  	s5 =	simm.s32 $0x16050;
	[sflag:s0] =	ssyncadd.s32 $0xFFFFD800  }
0xee: {  	[spmem:s2] =	stream.indirect.scatter.add.f32 [tilespmem:s15], [sflag:$0x4], $0x80, s5, s28, $0xb8;
	[tilespmem:$0x1F278] =	vst v63  }
0xef: {  	s9 =	simm.s32 @p2 $0x16050  }
0xf0: {  	[spmem:s4] =	stream.indirect.scatter.add.f32 @p2 [tilespmem:s20], [sflag:$0x6], $0x1, s9, s19, $0xb8;
	[tilespmem:$0x1F278] =	vst v63  }
0xf1: {  	_ =	swait.ge [sflag:s30], $0x2800  }
0xf2: {  	s11 =	simm.s32 @!p2 $0x1;
	[sflag:s30] =	ssyncset.done $0x0  }
0xf3: {  	s12 =	simm.s32 @!p2 $0x1AF80;
	s9 =	simm.s32 @!p2 $0x13970;
	[sflag:s30] =	ssyncadd.s32 $0xFFFFD800  }
0xf4: {  	[tilespmem:s12], [sflag:$0x2] =	stream.indirect.gather @!p2 [hbm4b:s1+s7], $0x80, s9, s7, $0xb8;
	[tilespmem:$0x1F278] =	vst v63  }
0xf5: {  	_ =	swait.ge @!p2 [sflag:s11], $0x2800  }
0xf6: {  	[sflag:s11] =	ssyncset.done @!p2 $0x0  }
0xf7: {  	s15 =	simm.s32 @p2 $0x6;
	s9 =	simm.s32 @!p2 $0x160A0;
	[sflag:s11] =	ssyncadd.s32 @!p2 $0xFFFFD800  }
0xf8: {  	[spmem:s2] =	stream.indirect.scatter.add.f32 @!p2 [tilespmem:s8], [sflag:$0x3], $0x80, s9, s7, $0xb8;
	[tilespmem:$0x1F278] =	vst v63  }
0xf9: {  	_ =	swait.ge @p2 [sflag:s15], $0x50  }
0xfa: {  	s13 =	simm.s32 @p2 $0x1;
	[sflag:s15] =	ssyncset.done @p2 $0x0  }
0xfb: {  	s14 =	simm.s32 @p2 $0x1AF80;
	s9 =	simm.s32 @p2 $0x13970;
	[sflag:s15] =	ssyncadd.s32 @p2 $0xFFFFFFB0  }
0xfc: {  	[tilespmem:s14], [sflag:$0x2] =	stream.indirect.gather @p2 [hbm4b:s6+s19], $0x80, s9, s19, $0xb8;
	[tilespmem:$0x1F278] =	vst v63  }
0xfd: {  	_ =	swait.ge @p2 [sflag:s13], $0x2800  }
0xfe: {  	[sflag:s13] =	ssyncset.done @p2 $0x0  }
0xff: {  	s9 =	simm.s32 @p2 $0x160A0;
	[sflag:s13] =	ssyncadd.s32 @p2 $0xFFFFD800  }
0x100: {  	[spmem:s2] =	stream.indirect.scatter.add.f32 @p2 [tilespmem:s17], [sflag:$0x3], $0x80, s9, s19, $0xb8;
	[tilespmem:$0x1F278] =	vst v63  }
0x101: {  	_ = 	snop  }
0x102: {  	[spmem:s4] =	stream.indirect.scatter.add.f32 @p2 [tilespmem:s20], [sflag:$0x5], $0x1, s9, s19, $0xb8;
	[tilespmem:$0x1F278] =	vst v63  }
0x103: {  	_ =	swait.ge [sflag:s16], $0x2800  }
0x104: {  	[sflag:s16] =	ssyncset.done $0x0  }
0x105: {  	s22 =	simm.s32 @!p2 $0x2;
	s9 =	simm.s32 @!p2 $0x139C0;
	[sflag:s16] =	ssyncadd.s32 $0xFFFFD800  }
0x106: {  	[tilespmem:s8], [sflag:$0x1] =	stream.indirect.gather @!p2 [hbm4b:s1+s7], $0x80, s9, s7, $0xb8;
	[tilespmem:$0x1F278] =	vst v63  }
0x107: {  	_ =	swait.ge @!p2 [sflag:s22], $0x2800  }
0x108: {  	[sflag:s22] =	ssyncset.done @!p2 $0x0  }
0x109: {  	s9 =	simm.s32 @!p2 $0x160F0;
	[sflag:s22] =	ssyncadd.s32 @!p2 $0xFFFFD800  }
0x10a: {  	[spmem:s2] =	stream.indirect.scatter.add.f32 @!p2 [tilespmem:s12], [sflag:$0x4], $0x80, s9, s7, $0xb8;
	[tilespmem:$0x1F278] =	vst v63  }
0x10b: {  	_ =	swait.ge @p2 [sflag:s21], $0x50  }
0x10c: {  	[sflag:s21] =	ssyncset.done @p2 $0x0  }
0x10d: {  	s24 =	simm.s32 @p2 $0x2;
	s9 =	simm.s32 @p2 $0x139C0;
	[sflag:s21] =	ssyncadd.s32 @p2 $0xFFFFFFB0  }
0x10e: {  	[tilespmem:s17], [sflag:$0x1] =	stream.indirect.gather @p2 [hbm4b:s6+s19], $0x80, s9, s19, $0xb8;
	[tilespmem:$0x1F278] =	vst v63  }
0x10f: {  	_ =	swait.ge @p2 [sflag:s24], $0x2800  }
0x110: {  	[sflag:s24] =	ssyncset.done @p2 $0x0  }
0x111: {  	s31 =	simm.s32 $0xFFFF6A00;
	s9 =	simm.s32 @p2 $0x160F0;
	[sflag:s24] =	ssyncadd.s32 @p2 $0xFFFFD800  }
0x112: {  	[spmem:s2] =	stream.indirect.scatter.add.f32 @p2 [tilespmem:s14], [sflag:$0x4], $0x80, s9, s19, $0xb8;
	[tilespmem:$0x1F278] =	vst v63  }
.LBB2_13:
0x113: {  	[spmem:s4] =	stream.indirect.scatter.add.f32 @p2 [tilespmem:s20], [sflag:$0x6], $0x1, s9, s19, $0xb8;
	[tilespmem:$0x1F278] =	vst v63  }
0x114: {  	s9 =	smov.u32 s31;
	s31 =	sadd.s32 $0x280, s31;
	_ =	swait.ge [sflag:s30], $0x2800  }
0x115: {  	s5 =	sshra.s32 @!p2 s9, $0x2;
	[sflag:s30] =	ssyncset.done $0x0  }
0x116: {  	s29 =	sadd.s32 @!p2 $0x15F90, s5;
	[sflag:s30] =	ssyncadd.s32 $0xFFFFD800  }
0x117: {  	[tilespmem:s12], [sflag:$0x2] =	stream.indirect.gather @!p2 [hbm4b:s1+s7], $0x80, s29, s7, $0xb8;
	[tilespmem:$0x1F278] =	vst v63  }
0x118: {  	p3 =	sne.s32 s31, $0x0;
	_ =	swait.ge @!p2 [sflag:s11], $0x2800  }
0x119: {  	[sflag:s11] =	ssyncset.done @!p2 $0x0  }
0x11a: {  	s29 =	sadd.s32 @!p2 $0x186C0, s5;
	[sflag:s11] =	ssyncadd.s32 @!p2 $0xFFFFD800  }
0x11b: {  	[spmem:s2] =	stream.indirect.scatter.add.f32 @!p2 [tilespmem:s8], [sflag:$0x3], $0x80, s29, s7, $0xb8;
	[tilespmem:$0x1F278] =	vst v63  }
0x11c: {  	_ =	swait.ge @p2 [sflag:s15], $0x50  }
0x11d: {  	s9 =	sshra.s32 @p2 s9, $0x2;
	[sflag:s15] =	ssyncset.done @p2 $0x0  }
0x11e: {  	s29 =	sadd.s32 @p2 $0x15F90, s9;
	[sflag:s15] =	ssyncadd.s32 @p2 $0xFFFFFFB0  }
0x11f: {  	[tilespmem:s14], [sflag:$0x2] =	stream.indirect.gather @p2 [hbm4b:s6+s19], $0x80, s29, s19, $0xb8;
	[tilespmem:$0x1F278] =	vst v63  }
0x120: {  	_ =	swait.ge @p2 [sflag:s13], $0x2800  }
0x121: {  	[sflag:s13] =	ssyncset.done @p2 $0x0  }
0x122: {  	s29 =	sadd.s32 @p2 $0x186C0, s9;
	[sflag:s13] =	ssyncadd.s32 @p2 $0xFFFFD800  }
0x123: {  	[spmem:s2] =	stream.indirect.scatter.add.f32 @p2 [tilespmem:s17], [sflag:$0x3], $0x80, s29, s19, $0xb8;
	[tilespmem:$0x1F278] =	vst v63  }
0x124: {  	_ = 	snop  }
0x125: {  	[spmem:s4] =	stream.indirect.scatter.add.f32 @p2 [tilespmem:s20], [sflag:$0x5], $0x1, s29, s19, $0xb8;
	[tilespmem:$0x1F278] =	vst v63  }
0x126: {  	_ =	swait.ge [sflag:s16], $0x2800  }
0x127: {  	[sflag:s16] =	ssyncset.done $0x0  }
0x128: {  	s29 =	sadd.s32 @!p2 $0x15FE0, s5;
	[sflag:s16] =	ssyncadd.s32 $0xFFFFD800  }
0x129: {  	[tilespmem:s8], [sflag:$0x1] =	stream.indirect.gather @!p2 [hbm4b:s1+s7], $0x80, s29, s7, $0xb8;
	[tilespmem:$0x1F278] =	vst v63  }
0x12a: {  	_ =	swait.ge @!p2 [sflag:s22], $0x2800  }
0x12b: {  	[sflag:s22] =	ssyncset.done @!p2 $0x0  }
0x12c: {  	s5 =	sadd.s32 @!p2 $0x18710, s5;
	[sflag:s22] =	ssyncadd.s32 @!p2 $0xFFFFD800  }
0x12d: {  	[spmem:s2] =	stream.indirect.scatter.add.f32 @!p2 [tilespmem:s12], [sflag:$0x4], $0x80, s5, s7, $0xb8;
	[tilespmem:$0x1F278] =	vst v63  }
0x12e: {  	_ =	swait.ge @p2 [sflag:s21], $0x50  }
0x12f: {  	[sflag:s21] =	ssyncset.done @p2 $0x0  }
0x130: {  	s5 =	sadd.s32 @p2 $0x15FE0, s9;
	[sflag:s21] =	ssyncadd.s32 @p2 $0xFFFFFFB0  }
0x131: {  	[tilespmem:s17], [sflag:$0x1] =	stream.indirect.gather @p2 [hbm4b:s6+s19], $0x80, s5, s19, $0xb8;
	[tilespmem:$0x1F278] =	vst v63  }
.Ltmp7:
0x132: {  	_ = 	snop;
	(pc) =	sbr.rel @p3 .LBB2_13-.Ltmp7, $4  }
0x133: {  	_ =	swait.ge @p2 [sflag:s24], $0x2800  }
0x134: {  	[sflag:s24] =	ssyncset.done @p2 $0x0  }
0x135: {  	s9 =	sadd.s32 @p2 $0x18710, s9;
	[sflag:s24] =	ssyncadd.s32 @p2 $0xFFFFD800  }
0x136: {  	[spmem:s2] =	stream.indirect.scatter.add.f32 @p2 [tilespmem:s14], [sflag:$0x4], $0x80, s9, s19, $0xb8;
	[tilespmem:$0x1F278] =	vst v63  }
0x137: {  	[spmem:s4] =	stream.indirect.scatter.add.f32 @p2 [tilespmem:s20], [sflag:$0x6], $0x1, s9, s19, $0xb8;
	[tilespmem:$0x1F278] =	vst v63  }
0x138: {  	_ =	swait.ge [sflag:s26], $0x2800  }
0x139: {  	[sflag:s26] =	ssyncset.done $0x0  }
0x13a: {  	s17 =	simm.s32 $0x18780;
	s5 =	simm.s32 $0x186C0;
	[sflag:s26] =	ssyncadd.s32 $0xFFFFD800  }
0x13b: {  	[spmem:s2] =	stream.indirect.scatter.add.f32 [tilespmem:s17], [sflag:$0x3], $0x80, s5, s28, $0xb8;
	[tilespmem:$0x1F278] =	vst v63  }
0x13c: {  	s5 =	simm.s32 @!p2 $0x3  }
0x13d: {  	_ =	swait.ge @!p2 [sflag:s5], $0x2800  }
0x13e: {  	[sflag:s5] =	ssyncset.done @!p2 $0x0  }
0x13f: {  	[sflag:s5] =	ssyncadd.s32 @!p2 $0xFFFFD800;
	s5 =	simm.s32 @!p2 $0x4  }
0x140: {  	_ =	swait.ge @!p2 [sflag:s5], $0x2800  }
0x141: {  	p3 =	sgt.u32 @!p2 s3, $0x9;
	[sflag:s5] =	ssyncset.done @!p2 $0x0  }
0x142: {  	p3 =	por p3, p2;
	[sflag:s5] =	ssyncadd.s32 @!p2 $0xFFFFD800  }
0x143: {  	s5 =	sshll.u32 @!p3 s3, $0x6;
	[bflag:$0x0] =	sbarrier.arrive @!p2 $0xFFFF  }
0x144: {  	s7 =	sshrl.u32 @!p3 s10, $0x3;
	s5 =	sor.u32 @!p3 $0x1C07, s5;
	s8 =	rddreg [dreg:$0x8]  }
0x145: {  	[hbm:s8], [sflag:s5] =	dma.local @!p3 [spmem:s7], $0x3E80  }
0x146: {  	s5 =	simm.s32 @!p3 $0x7  }
0x147: {  	_ =	swait.ge @!p3 [sflag:s5], $0x3E80  }
0x148: {  	s7 =	simm.s32 @p2 $0x186C0;
	[sflag:s5] =	ssyncset.done @!p3 $0x0  }
0x149: {  	s8 =	simm.s32 @p2 $0x1EDF8;
	[sflag:s5] =	ssyncadd.s32 @!p3 $0xFFFFC180;
	s5 =	simm.s32 @p2 $0x50  }
0x14a: {  	[spmem:s4] =	stream.indirect.scatter.add.f32 @p2 [tilespmem:s8], [sflag:$0x5], $0x1, s7, s5, $0xb8;
	[tilespmem:$0x1F278] =	vst v63  }
0x14b: {  	s5 =	simm.s32 @p2 $0x3  }
0x14c: {  	_ =	swait.ge @p2 [sflag:s5], $0x2800  }
0x14d: {  	[sflag:s5] =	ssyncset.done @p2 $0x0  }
0x14e: {  	[sflag:s5] =	ssyncadd.s32 @p2 $0xFFFFD800;
	s5 =	simm.s32 @p2 $0x4  }
0x14f: {  	_ =	swait.ge @p2 [sflag:s5], $0x2800  }
0x150: {  	[sflag:s5] =	ssyncset.done @p2 $0x0  }
0x151: {  	[sflag:s5] =	ssyncadd.s32 @p2 $0xFFFFD800;
	s5 =	simm.s32 @p2 $0x5  }
0x152: {  	_ =	swait.ge @p2 [sflag:s5], $0x50  }
0x153: {  	[sflag:s5] =	ssyncset.done @p2 $0x0  }
0x154: {  	[sflag:s5] =	ssyncadd.s32 @p2 $0xFFFFFFB0  }
0x155: {  	_ =	swait.ge @p2 [sflag:s15], $0x50  }
0x156: {  	p3 =	slt.u32 @p2 s3, $0xA;
	[sflag:s15] =	ssyncset.done @p2 $0x0  }
0x157: {  	p3 =	por !p3, !p2;
	[sflag:s15] =	ssyncadd.s32 @p2 $0xFFFFFFB0  }
0x158: {  	s5 =	sshll.u32 @!p3 s3, $0x6;
	[bflag:$0x0] =	sbarrier.arrive @p2 $0xFFFF  }
0x159: {  	s7 =	sshrl.u32 @!p3 s10, $0x3;
	s5 =	sor.u32 @!p3 $0x1C07, s5;
	s8 =	rddreg [dreg:$0x9]  }
0x15a: {  	[hbm:s8], [sflag:s5] =	dma.local @!p3 [spmem:s7], $0x3E80  }
0x15b: {  	s5 =	simm.s32 @!p3 $0x7  }
0x15c: {  	_ =	swait.ge @!p3 [sflag:s5], $0x3E80  }
0x15d: {  	[sflag:s5] =	ssyncset.done @!p3 $0x0  }
0x15e: {  	s7 =	simm.s32 @!p3 $0x1EE78;
	s8 =	rddreg [dreg:$0x7];
	[sflag:s5] =	ssyncadd.s32 @!p3 $0xFFFFC180  }
0x15f: {  	[tilespmem:s7], [sflag:$0x7] =	stream.linear.gather @!p3 [spmem:s8], $0x3E8, $0x38;
	[tilespmem:$0x1F278] =	vst v63  }
0x160: {  	_ =	swait.ge @!p3 [sflag:s5], $0x3E8  }
0x161: {  	[sflag:s5] =	ssyncset.done @!p3 $0x0  }
0x162: {  	s8 =	simm.s32 @!p3 $0x0;
	s9 =	rddreg [dreg:$0xa];
	[sflag:s5] =	ssyncadd.s32 @!p3 $0xFFFFFC18  }
0x163: {  	[hbm4b:s9+s8] =	stream.linear.scatter @!p3 [tilespmem:s7], [sflag:$0x7], $0x3E8, $0x38;
	[tilespmem:$0x1F278] =	vst v63  }
0x164: {  	_ =	swait.ge @!p3 [sflag:s5], $0x3E8  }
0x165: {  	s18 =	sadd.s32 $0x1, s18;
	s31 =	rddreg [dreg:$0xb]  }
0x166: {  	p2 =	sne.s32 s18, s31  }
.Ltmp8:
0x167: {  	_ = 	snop;
	(pc) =	sbr.rel @p2 .LBB2_1-.Ltmp8, $3  }
0x168: {  	_ =	sdelay $0x1  }
0x169: {  	s13 =	simm.s32 $0x13880;
	[sflag:s5] =	ssyncset.done @!p3 $0x0  }
0x16a: {  	s14 =	simm.s32 $0x16000;
	s15 =	simm.s32 $0x1AF80;
	[sflag:s5] =	ssyncadd.s32 @!p3 $0xFFFFFC18  }
0x16b: {  	_ =	sfence.sel $0x180000  }
0x16c: {  	[bflag:$0x0] =	sbarrier.arrive $0xFFFF  }
0x16d: {  	_ =	strace $0x90000047  }
0x16e: {  	[bflag:$0x2] =	sbarrier.arrive $0xFFFF  }
0x16f: {  	p0 =	sne.s32 s3, $0x0;
	s0 =	rddreg [dreg:$0x4]  }
0x170: {  	s0 =	sadd.s32 @!p0 $0x100000, s0  }
0x171: {  	[sflag:s0] =	ssyncadd.tile.s32 @!p0 $0x1;
	_ =	shalt  }
.Lfunc_end2:
_tile_overlayer_lowered:
.L_overlay_start_2:
0x172: {  	(tag) =	ssettag $0x2  }
0x173: {  	s0 =	rddreg [dreg:$0x0];
	s2 =	stileid.u32  }
0x174: {  	s1 =	rddreg [dreg:$0x1];
	p0 =	sne.s32 s2, $0x0  }
0x175: {  	s3 =	rddreg [dreg:$0x2];
	[bflag:$0x3] =	sbarrier.arrive $0xFFFF;
	s2 =	simm.s32 @!p0 $0x1C07  }
0x176: {  	[timem:s3], [sflag:s2] =	dma.local @!p0 [hbm:s0], s1  }
0x177: {  	s0 =	simm.s32 @!p0 $0x7  }
0x178: {  	_ =	swait.ge @!p0 [sflag:s0], s1  }
0x179: {  	s1 =	ssub.s32 @!p0 $0x0, s1;
	[sflag:s0] =	ssyncset.done @!p0 $0x0  }
0x17a: {  	[sflag:s0] =	ssyncadd.s32 @!p0 s1  }
0x17b: {  	[bflag:$0x3] =	sbarrier.arrive $0xFFFF  }
0x17c: {  	_ =	shalt  }

// kernel: kernel.9.cloned.1.call-start
scs
__scs_entry_jumppad:
0x0: {  	(pc) =	sbr.rel $0x88, $3  }
0x1: {  	(tag) =	ssettag $0x0;
	lr =	simm.s32 $0x1  }
0x2: {  	[smem:$0x3F97] =	sst lr;
	_ =	strace $0xD0000000  }
0x3: {  	_ = 	snop  }
0x4: {  	_ = 	snop  }
0x5: {  	_ = 	snop  }
0x6: {  	_ = 	snop  }
0x7: {  	_ = 	snop  }
__scs_overlays_trampoline_lowered:
0x8: {  	[smem:$0x3FA6] =	sst s0  }
0x9: {  	[smem:$0x3FA7] =	sst s1  }
0xa: {  	[smem:$0x3FA8] =	sst s2  }
0xb: {  	[smem:$0x3FA9] =	sst s3  }
0xc: {  	[smem:$0x3FAA] =	sst s4  }
0xd: {  	[smem:$0x3FAB] =	sst s5  }
0xe: {  	[smem:$0x3FAC] =	sst s6  }
0xf: {  	[smem:$0x3FAD] =	sst s7  }
0x10: {  	[smem:$0x3FAE] =	sst s8  }
0x11: {  	[smem:$0x3FAF] =	sst s9;
	s0 =	simm.s32 @!p0 $0x0  }
0x12: {  	s1 =	sld [smem:$0x3F95];
	s0 =	simm.s32 @p0 $0x1  }
0x13: {  	[smem:$0x3FB0] =	sst s0;
	s0 =	simm.s32 @!p1 $0x0  }
0x14: {  	s2 =	sld [smem:$0x3F94];
	s0 =	simm.s32 @p1 $0x1  }
0x15: {  	[smem:$0x3FB1] =	sst s0;
	s0 =	simm.s32 @!p2 $0x0  }
0x16: {  	s3 =	sld [smem:$0x3FDB];
	s0 =	simm.s32 @p2 $0x1  }
0x17: {  	s4 =	simm.s32 $0x1BF5;
	[smem:$0x3FB3] =	sst s0  }
0x18: {  	s0 =	sld [smem:$0x3F96];
	_ =	swait.ge [sflag:s4], $0x0  }
0x19: {  	s7 =	sld [smem:$0x3F97]  }
0x1a: {  	s8 =	sadd.s32 $0xFFFFE003, lr  }
0x1b: {  	s9 =	sadd.s32 $0xFFFFFEF7, lr;
	s5 =	simm.s32 $0xFFFFFFFF;
	p2 =	slt.u32 s8, $0xFFFFF086  }
0x1c: {  	p1 =	slt.u32 s9, $0xF7A;
	s5 =	simm.s32 @!p2 $0x0  }
0x1d: {  	s5 =	simm.s32 @p1 $0x1;
	p0 =	seq.s32 s7, s2  }
0x1e: {  	s7 =	smul.u32 @!p0 $0xF7A, s2;
	p2 =	seq.s32 @!p0 s5, $0x0  }
0x1f: {  	s9 =	smul.u32 $0xF7A, s1;
	s8 =	simm.s32 @!p0 $0x1BF5;
	p2 =	por !p2, p0  }
0x20: {  	[sflag:s8] =	ssyncset.s32 @!p0 $0xFFFFF086;
	s6 =	sadd.s32 @!p0 s3, s7;
	s7 =	simm.s32 @!p0 $0x108  }
0x21: {  	s3 =	sadd.s32 s3, s9;
	s6 =	sadd.s32 @!p0 $0x88, s6;
	s7 =	simm.s32 @p2 $0x1082  }
0x22: {  	[simem:s7], [sflag:s8] =	dma.local @!p0 [hbm:s6], $0xF7A  }
0x23: {  	s9 =	sor.u32 $0xD0000000, s2;
	s6 =	simm.s32 $0x108;
	_ =	swait.ge @!p0 [sflag:s8], $0x0  }
0x24: {  	s3 =	sadd.s32 $0x88, s3;
	s6 =	simm.s32 @!p1 $0x1082;
	[sflag:s4] =	ssyncset.s32 $0xFFFFF086  }
0x25: {  	[simem:s6], [sflag:s4] =	dma.local [hbm:s3], $0xF7A  }
0x26: {  	[smem:$0x3F97] =	sst s1;
	(tag) =	ssettag s2;
	_ =	strace s9  }
0x27: {  	s1 =	sld [smem:$0x3FA7]  }
0x28: {  	s2 =	sld [smem:$0x3FA8]  }
0x29: {  	s4 =	sld [smem:$0x3FAA]  }
0x2a: {  	p0 =	seq.s32 s5, $0x0;
	s5 =	sld [smem:$0x3FAB]  }
0x2b: {  	s6 =	sld [smem:$0x3FAC]  }
0x2c: {  	s7 =	sld [smem:$0x3FAD]  }
0x2d: {  	s3 =	simm.s32 $0x108;
	s8 =	sld [smem:$0x3FAE]  }
0x2e: {  	s3 =	simm.s32 @!p0 $0x1082;
	s9 =	sld [smem:$0x3FAF]  }
0x2f: {  	lr =	sadd.s32 s0, s3;
	s0 =	sld [smem:$0x3FA6]  }
0x30: {  	s3 =	sld [smem:$0x3FA9]  }
0x31: {  	[smem:$0x3FB2] =	sst s10  }
0x32: {  	s10 =	sld [smem:$0x3FB0];
	_ =	sdelay $0x3  }
0x33: {  	p0 =	seq.s32 s10, $0x1;
	s10 =	sld [smem:$0x3FB2];
	_ =	sdelay $0x3  }
0x34: {  	[smem:$0x3FB2] =	sst s10  }
0x35: {  	s10 =	sld [smem:$0x3FB1];
	_ =	sdelay $0x3  }
0x36: {  	p1 =	seq.s32 s10, $0x1;
	s10 =	sld [smem:$0x3FB2];
	_ =	sdelay $0x3  }
0x37: {  	[smem:$0x3FB2] =	sst s10  }
0x38: {  	s10 =	sld [smem:$0x3FB3]  }
0x39: {  	_ = 	snop;
	(pc) =	sbr.ind lr, $3  }
0x3a: {  	_ = 	snop  }
0x3b: {  	_ = 	snop  }
0x3c: {  	p2 =	seq.s32 s10, $0x1;
	s10 =	sld [smem:$0x3FB2]  }
0x3d: {  	_ =	shalt  }
0x3e: {  	_ =	shalt  }
0x3f: {  	_ =	shalt  }
0x40: {  	_ =	shalt  }
0x41: {  	_ =	shalt  }
0x42: {  	_ =	shalt  }
0x43: {  	_ =	shalt  }
0x44: {  	_ =	shalt  }
0x45: {  	_ =	shalt  }
0x46: {  	_ =	shalt  }
0x47: {  	_ =	shalt  }
0x48: {  	_ =	shalt  }
0x49: {  	_ =	shalt  }
0x4a: {  	_ =	shalt  }
0x4b: {  	_ =	shalt  }
0x4c: {  	_ =	shalt  }
0x4d: {  	_ =	shalt  }
0x4e: {  	_ =	shalt  }
0x4f: {  	_ =	shalt  }
0x50: {  	_ =	shalt  }
0x51: {  	_ =	shalt  }
0x52: {  	_ =	shalt  }
0x53: {  	_ =	shalt  }
0x54: {  	_ =	shalt  }
0x55: {  	_ =	shalt  }
0x56: {  	_ =	shalt  }
0x57: {  	_ =	shalt  }
0x58: {  	_ =	shalt  }
0x59: {  	_ =	shalt  }
0x5a: {  	_ =	shalt  }
0x5b: {  	_ =	shalt  }
0x5c: {  	_ =	shalt  }
0x5d: {  	_ =	shalt  }
0x5e: {  	_ =	shalt  }
0x5f: {  	_ =	shalt  }
0x60: {  	_ =	shalt  }
0x61: {  	_ =	shalt  }
0x62: {  	_ =	shalt  }
0x63: {  	_ =	shalt  }
0x64: {  	_ =	shalt  }
0x65: {  	_ =	shalt  }
0x66: {  	_ =	shalt  }
0x67: {  	_ =	shalt  }
0x68: {  	_ =	shalt  }
0x69: {  	_ =	shalt  }
0x6a: {  	_ =	shalt  }
0x6b: {  	_ =	shalt  }
0x6c: {  	_ =	shalt  }
0x6d: {  	_ =	shalt  }
0x6e: {  	_ =	shalt  }
0x6f: {  	_ =	shalt  }
0x70: {  	_ =	shalt  }
0x71: {  	_ =	shalt  }
0x72: {  	_ =	shalt  }
0x73: {  	_ =	shalt  }
0x74: {  	_ =	shalt  }
0x75: {  	_ =	shalt  }
0x76: {  	_ =	shalt  }
0x77: {  	_ =	shalt  }
0x78: {  	_ =	shalt  }
0x79: {  	_ =	shalt  }
0x7a: {  	_ =	shalt  }
0x7b: {  	_ =	shalt  }
0x7c: {  	_ =	shalt  }
0x7d: {  	_ =	shalt  }
0x7e: {  	_ =	shalt  }
0x7f: {  	_ =	shalt  }
0x80: {  	_ =	shalt  }
0x81: {  	_ =	shalt  }
0x82: {  	_ =	shalt  }
0x83: {  	_ =	shalt  }
0x84: {  	_ =	shalt  }
0x85: {  	_ =	shalt  }
0x86: {  	_ =	shalt  }
0x87: {  	_ =	shalt  }
.Lfunc_end0:
.L_simem_size_0:
called_computation.1_lowered:
.L_overlay_start_0:
0x88: {  	s2 =	sld [smem:$0x3FD9]  }
0x89: {  	s3 =	sld [smem:$0x3FFE];
	_ =	sdelay $0x1  }
0x8a: {  	s1 =	srdreg.scid  }
0x8b: {  	s0 =	sand.u32 $0x1, s1  }
0x8c: {  	s17 =	sshll.u32 s0, $0xA;
	s2 =	sadd.s32 s3, s2  }
0x8d: {  	s2 =	sadd.s32 s2, s17  }
0x8e: {  	[smem:$0x3FBE] =	sst s2  }
0x8f: {  	_ = 	snop  }
0x90: {  	s2 =	sld [smem:$0x3FD0];
	(tm) =	ssettm $0x1  }
0x91: {  	s18 =	sld [smem:$0x3FFB];
	_ =	sdelay $0x3  }
0x92: {  	_ =	strace s18  }
0x93: {  	s3 =	sld [smem:$0x3FFC];
	_ =	sdelay $0x3  }
0x94: {  	_ =	strace s3  }
0x95: {  	s3 =	sld [smem:$0x3FFD];
	_ =	sdelay $0x3  }
0x96: {  	_ =	strace s3  }
0x97: {  	_ =	strace $0x8FFFFFFF  }
0x98: {  	s19 =	sld [smem:$0x3FDB];
	_ =	sdelay $0x1  }
0x99: {  	s4 =	simm.s32 $_scs_section_size  }
0x9a: {  	s5 =	simm.s32 $_size__tile_overlayer_lowered;
	s6 =	simm.s32 $_tile_overlayer_lowered  }
0x9b: {  	s22 =	simm.s32 $0x1BFF;
	s21 =	sshll.u32 s6, $0x1;
	s3 =	sadd.s32 s4, s19  }
0x9c: {  	s7 =	simm.s32 $0x0;
	s20 =	sshll.u32 s5, $0x1;
	s5 =	sadd.s32 s21, s3  }
0x9d: {  	[timem:s7], [sflag:s22] =	dma.local [hbm:s5], s20  }
0x9e: {  	_ =	swait.ge [sflag:s22], s20  }
0x9f: {  	s4 =	ssub.s32 $0x0, s20;
	[sflag:s22] =	ssyncset.done $0x0  }
0xa0: {  	[sflag:s22] =	ssyncadd.s32 s4;
	_ =	sdelay $0x1  }
0xa1: {  	s23 =	simm.s32 $0x1B8B  }
0xa2: {  	_ =	swait.ge [sflag:s23], $0x1  }
0xa3: {  	[sflag:s23] =	ssyncset.done $0x0  }
0xa4: {  	s25 =	simm.s32 $0x1B8E;
	s24 =	sld [smem:$0x3FFE];
	[sflag:s23] =	ssyncadd.s32 $0xFFFFFFFF  }
0xa5: {  	s26 =	simm.s32 $execute0_lowered;
	[smem:$0x3FD2] =	sst s25  }
0xa6: {  	s5 =	sshll.u32 s26, $0x1;
	_ =	strace $0x80000049;
	[dreg:$0x1] =	wrdreg $0xFFFFFFFF  }
0xa7: {  	s28 =	simm.s32 $_size_execute0_lowered;
	s3 =	sadd.s32 s3, s5;
	[dreg:$0x0] =	wrdreg $0x0  }
0xa8: {  	s5 =	sshll.u32 s28, $0x1;
	[dreg:$0x2] =	wrdreg s3  }
0xa9: {  	[dreg:$0x3] =	wrdreg s5  }
0xaa: {  	[dreg:$0x4] =	wrdreg $0xC0  }
0xab: {  	_ =	task [dreg:s7], $0x5FFFF  }
0xac: {  	[dreg:$0x1] =	wrdreg $0xFFFFFFFF  }
0xad: {  	[dreg:$0x0] =	wrdreg $0x60  }
0xae: {  	[dreg:$0x2] =	wrdreg s2  }
0xaf: {  	[dreg:$0x3] =	wrdreg s24  }
0xb0: {  	[dreg:$0x4] =	wrdreg $0x0  }
0xb1: {  	[dreg:$0x5] =	wrdreg $0x9  }
0xb2: {  	_ =	task.clear_ibuf [dreg:s7], $0x6FFFF;
	_ =	strace $0x90000049  }
0xb3: {  	s29 =	simm.s32 $0x9;
	_ =	strace $0x8000004B  }
0xb4: {  	_ =	swait.ge [sflag:s29], $0x1  }
0xb5: {  	[sflag:s29] =	ssyncadd.s32 $0xFFFFFFFF  }
0xb6: {  	_ =	strace $0x9000004B  }
0xb7: {  	_ =	sfence  }
0xb8: {  	s30 =	sld [smem:$0x0];
	_ =	sdelay $0x2  }
0xb9: {  	s31 =	sshll.u32 s1, $0xD;
	s1 =	sshrl.u32 s1, $0x2  }
0xba: {  	s3 =	sand.u32 $0x4000, s31;
	s1 =	sadd.s32 s1, s30  }
0xbb: {  	s0 =	sor.u32 s3, s0;
	s1 =	sshll.u32 s1, $0x11  }
0xbc: {  	s0 =	sor.u32 s1, s0  }
0xbd: {  	s0 =	sadd.s32 $0x8F2B, s0  }
0xbe: {  	[sflag:s0] =	ssyncadd.remote.s32 $0x1  }
0xbf: {  	_ =	sfence.sel $0xFFFF  }
0xc0: {  	[dreg:$0x0] =	wrdreg $0xFFFFFFFF;
	(pc) =	sbr.abs _section_cstart, $3  }
0xc1: {  	[dreg:$0x1] =	wrdreg $0xFFFFFFFF  }
0xc2: {  	_ =	task.clear_ibuf [dreg:s7], $0x2FFFF;
	_ =	strace $0x9FFFFFFF  }
0xc3: {  	(tm) =	ssettm $0x7FFFFFFF  }
tec
execute0_lowered:
.L_overlay_start_1:
0x0: {  	(tag) =	ssettag $0x1  }
0x1: {  	s1 =	rddreg [dreg:$0x0]  }
0x2: {  	s0 =	rddreg [dreg:$0x1];
	s12 =	stileid.u32  }
0x3: {  	s3 =	rddreg [dreg:$0x2];
	s9 =	smul.u32 $0x7D000, s12  }
0x4: {  	s4 =	simm.s32 $0x0;
	s5 =	srdreg.scid;
	s28 =	simm.s32 $0x0  }
0x5: {  	[smem:$0x7FF] =	sst s4;
	s8 =	sand.u32 $0x1, s5;
	s21 =	sshrl.u32 s9, $0x2  }
0x6: {  	s6 =	ssub.s32 $0x2, s8;
	p0 =	seq.s32 s8, $0x0;
	s8 =	sadd.s32 s21, s3  }
0x7: {  	s2 =	smul.u32 $0x4E2, s12;
	s5 =	sadd.s32 $0xC800, s0;
	s23 =	sadd.s32 $0x1400, s8  }
0x8: {  	_ =	strace $0x8000004A;
	s24 =	sadd.s32 $0x2800, s8;
	[dreg:$0x4] =	wrdreg s23  }
0x9: {  	s10 =	sadd.s32 $0x33A00, s0;
	s25 =	sadd.s32 $0x3C00, s8;
	[dreg:$0x5] =	wrdreg s24  }
0xa: {  	s22 =	smul.u32 $0x3E80, s12;
	s26 =	sadd.s32 $0x5000, s8;
	[dreg:$0x6] =	wrdreg s25  }
0xb: {  	p1 =	sgt.u32 s12, $0x9;
	s29 =	sadd.s32 $0x6400, s8;
	[dreg:$0x7] =	wrdreg s26  }
0xc: {  	s2 =	sadd.s32 s2, s0;
	s30 =	sadd.s32 $0x7800, s8;
	[dreg:$0x8] =	wrdreg s29  }
0xd: {  	s7 =	sshrl.u32 s6, $0x1;
	s31 =	sadd.s32 $0x8C00, s8;
	[dreg:$0x9] =	wrdreg s30  }
0xe: {  	s0 =	sadd.s32 $0x5AC00, s0;
	s13 =	sadd.s32 $0xA000, s8;
	[dreg:$0xa] =	wrdreg s31  }
0xf: {  	s11 =	ssub.s32 s6, s7;
	s14 =	sadd.s32 $0xB400, s8;
	[dreg:$0xb] =	wrdreg s13  }
0x10: {  	s6 =	sadd.s32 $0x7800, s2;
	s15 =	sadd.s32 $0xC800, s8;
	[dreg:$0xc] =	wrdreg s14  }
0x11: {  	s7 =	sadd.s32 $0x2800, s2;
	s16 =	sadd.s32 $0xDC00, s8;
	[dreg:$0xd] =	wrdreg s15  }
0x12: {  	s0 =	smov.u32 @p0 s10;
	s17 =	sadd.s32 $0xF000, s8;
	[dreg:$0xe] =	wrdreg s16  }
0x13: {  	s2 =	simm.s32 $0x16050;
	s18 =	sadd.s32 $0x10400, s8;
	[dreg:$0xf] =	wrdreg s17  }
0x14: {  	s9 =	smax.u32 s11, $0x1;
	s19 =	sadd.s32 $0x11800, s8;
	[dreg:$0x10] =	wrdreg s18  }
0x15: {  	s20 =	sadd.s32 $0x12C00, s8;
	s21 =	sadd.s32 $0x14000, s8;
	[dreg:$0x11] =	wrdreg s19  }
0x16: {  	s12 =	sadd.s32 $0x1CC00, s8;
	s23 =	smov.u32 s5;
	[dreg:$0x12] =	wrdreg s20  }
0x17: {  	s24 =	sadd.s32 s0, s22;
	[dreg:$0x13] =	wrdreg s21;
	s22 =	sadd.s32 $0x15400, s8  }
0x18: {  	s25 =	sadd.s32 $0x16800, s8;
	s26 =	sadd.s32 $0x17C00, s8;
	s29 =	sadd.s32 $0x19000, s8  }
0x19: {  	s30 =	sadd.s32 $0x1A400, s8;
	s31 =	sadd.s32 $0x1B800, s8;
	[dreg:$0x14] =	wrdreg s22  }
0x1a: {  	s13 =	sadd.s32 $0x1E000, s8;
	s15 =	simm.s32 $0x5;
	[dreg:$0x15] =	wrdreg s25  }
0x1b: {  	s16 =	simm.s32 $0x16000;
	s17 =	simm.s32 $0x1D780;
	[dreg:$0x16] =	wrdreg s26  }
0x1c: {  	s18 =	simm.s32 $0x1;
	s19 =	simm.s32 $0x50;
	[dreg:$0x17] =	wrdreg s29  }
0x1d: {  	s20 =	simm.s32 $0x18780;
	s21 =	simm.s32 $0x3;
	[dreg:$0x18] =	wrdreg s30  }
0x1e: {  	s14 =	simm.s32 $0x186C0;
	s23 =	smov.u32 @p0 s1;
	[dreg:$0x19] =	wrdreg s31  }
0x1f: {  	v0 =	vimm.f32 $0.0e+00;
	s22 =	simm.s32 $0x2;
	s25 =	simm.s32 $0x1AF80;
	s26 =	simm.s32 $0x4  }
.LBB2_1:
0x20: {  	s0 =	simm.s32 $0x13880  }
0x21: {  	[tilespmem:s0], [sflag:$0x5] =	stream.linear.gather [hbm4b:s6+s4], $0x2710, $0x38;
	[tilespmem:$0x1EB80] =	vst v63  }
0x22: {  	s29 =	simm.s32 $0x0;
	_ =	swait.ge [sflag:s15], $0x2710  }
0x23: {  	s30 =	sand.u32 $0xFFFFFF80, s29;
	[sflag:s15] =	ssyncset.done $0x0  }
0x24: {  	s31 =	sand.u32 $0x70, s4;
	s30 =	ssub.s32 $0x0, s30;
	[sflag:s15] =	ssyncadd.s32 $0xFFFFD8F0  }
0x25: {  	[tilespmem:s16], [sflag:$0x5] =	stream.linear.gather [hbm4b:s7+s4], $0x2710, $0x38;
	[tilespmem:$0x1EB80] =	vst v63  }
0x26: {  	s29 =	sand.u32 $0x3FFFFF80, s29;
	s30 =	sand.u32 $0xFFFFFF80, s30;
	_ =	swait.ge [sflag:s15], $0x2710  }
0x27: {  	s30 =	sadd.s32 s30, s29;
	s29 =	simm.s32 $0x1;
	[sflag:s15] =	ssyncset.done $0x0  }
0x28: {  	s31 =	sor.u32 s31, s30;
	s30 =	simm.s32 $0x0;
	[sflag:s15] =	ssyncadd.s32 $0xFFFFD8F0  }
.LBB2_2:
0x29: {  	s0 =	sshll.u32 s29, $0x4;
	p2 =	sne.s32 s29, $0x13F;
	s29 =	sadd.s32 $0x1, s29;
	[tilespmem:s31+$0x1D780] =	vst v0  }
.Ltmp0:
0x2a: {  	s30 =	sadd.s32 $0x10, s30;
	s31 =	sand.u32 $0xFFFFFF80, s0;
	(pc) =	sbr.rel @p2 .LBB2_2-.Ltmp0, $4  }
0x2b: {  	s31 =	ssub.s32 s30, s31  }
0x2c: {  	s0 =	sand.u32 $0x3FFFFF80, s0;
	s31 =	sand.u32 $0xFFFFFF80, s31  }
0x2d: {  	s10 =	sand.u32 $0x70, s30;
	s0 =	sadd.s32 s31, s0  }
0x2e: {  	s31 =	sor.u32 s10, s0  }
.Ltmp1:
0x2f: {  	(pc) =	sbr.rel @p1 .LBB2_5-.Ltmp1, $2  }
0x30: {  	_ =	sdelay $0x2  }
0x31: {  	[tilespmem:s31+$0x1D780] =	vst v0  }
0x32: {  	[spmem:s8] =	stream.linear.scatter [tilespmem:s17], [sflag:$0x1], $0x1400, $0x38;
	[tilespmem:$0x1EB80] =	vst v63  }
0x33: {  	s0 =	rddreg [dreg:$0x4]  }
0x34: {  	[spmem:s0] =	stream.linear.scatter [tilespmem:s17], [sflag:$0x1], $0x1400, $0x38;
	[tilespmem:$0x1EB80] =	vst v63  }
0x35: {  	s31 =	rddreg [dreg:$0x5]  }
0x36: {  	[spmem:s31] =	stream.linear.scatter [tilespmem:s17], [sflag:$0x1], $0x1400, $0x38;
	[tilespmem:$0x1EB80] =	vst v63  }
0x37: {  	s10 =	rddreg [dreg:$0x6]  }
0x38: {  	[spmem:s10] =	stream.linear.scatter [tilespmem:s17], [sflag:$0x1], $0x1400, $0x38;
	[tilespmem:$0x1EB80] =	vst v63  }
0x39: {  	s11 =	rddreg [dreg:$0x7]  }
0x3a: {  	[spmem:s11] =	stream.linear.scatter [tilespmem:s17], [sflag:$0x1], $0x1400, $0x38;
	[tilespmem:$0x1EB80] =	vst v63  }
0x3b: {  	s29 =	rddreg [dreg:$0x8]  }
0x3c: {  	[spmem:s29] =	stream.linear.scatter [tilespmem:s17], [sflag:$0x1], $0x1400, $0x38;
	[tilespmem:$0x1EB80] =	vst v63  }
0x3d: {  	s30 =	rddreg [dreg:$0x9]  }
0x3e: {  	[spmem:s30] =	stream.linear.scatter [tilespmem:s17], [sflag:$0x1], $0x1400, $0x38;
	[tilespmem:$0x1EB80] =	vst v63  }
0x3f: {  	s31 =	rddreg [dreg:$0xa]  }
0x40: {  	[spmem:s31] =	stream.linear.scatter [tilespmem:s17], [sflag:$0x1], $0x1400, $0x38;
	[tilespmem:$0x1EB80] =	vst v63  }
0x41: {  	s10 =	rddreg [dreg:$0xb]  }
0x42: {  	[spmem:s10] =	stream.linear.scatter [tilespmem:s17], [sflag:$0x1], $0x1400, $0x38;
	[tilespmem:$0x1EB80] =	vst v63  }
0x43: {  	s11 =	rddreg [dreg:$0xc]  }
0x44: {  	[spmem:s11] =	stream.linear.scatter [tilespmem:s17], [sflag:$0x1], $0x1400, $0x38;
	[tilespmem:$0x1EB80] =	vst v63  }
0x45: {  	s29 =	rddreg [dreg:$0xd]  }
0x46: {  	[spmem:s29] =	stream.linear.scatter [tilespmem:s17], [sflag:$0x1], $0x1400, $0x38;
	[tilespmem:$0x1EB80] =	vst v63  }
0x47: {  	s30 =	rddreg [dreg:$0xe]  }
0x48: {  	[spmem:s30] =	stream.linear.scatter [tilespmem:s17], [sflag:$0x1], $0x1400, $0x38;
	[tilespmem:$0x1EB80] =	vst v63  }
0x49: {  	s31 =	rddreg [dreg:$0xf]  }
0x4a: {  	[spmem:s31] =	stream.linear.scatter [tilespmem:s17], [sflag:$0x1], $0x1400, $0x38;
	[tilespmem:$0x1EB80] =	vst v63  }
0x4b: {  	s10 =	rddreg [dreg:$0x10]  }
0x4c: {  	[spmem:s10] =	stream.linear.scatter [tilespmem:s17], [sflag:$0x1], $0x1400, $0x38;
	[tilespmem:$0x1EB80] =	vst v63  }
0x4d: {  	s11 =	rddreg [dreg:$0x11]  }
0x4e: {  	[spmem:s11] =	stream.linear.scatter [tilespmem:s17], [sflag:$0x1], $0x1400, $0x38;
	[tilespmem:$0x1EB80] =	vst v63  }
0x4f: {  	s29 =	rddreg [dreg:$0x12]  }
0x50: {  	[spmem:s29] =	stream.linear.scatter [tilespmem:s17], [sflag:$0x1], $0x1400, $0x38;
	[tilespmem:$0x1EB80] =	vst v63  }
0x51: {  	s30 =	rddreg [dreg:$0x13]  }
0x52: {  	[spmem:s30] =	stream.linear.scatter [tilespmem:s17], [sflag:$0x1], $0x1400, $0x38;
	[tilespmem:$0x1EB80] =	vst v63  }
0x53: {  	s31 =	rddreg [dreg:$0x14]  }
0x54: {  	[spmem:s31] =	stream.linear.scatter [tilespmem:s17], [sflag:$0x1], $0x1400, $0x38;
	[tilespmem:$0x1EB80] =	vst v63  }
0x55: {  	s10 =	rddreg [dreg:$0x15]  }
0x56: {  	[spmem:s10] =	stream.linear.scatter [tilespmem:s17], [sflag:$0x1], $0x1400, $0x38;
	[tilespmem:$0x1EB80] =	vst v63  }
0x57: {  	s11 =	rddreg [dreg:$0x16]  }
0x58: {  	[spmem:s11] =	stream.linear.scatter [tilespmem:s17], [sflag:$0x1], $0x1400, $0x38;
	[tilespmem:$0x1EB80] =	vst v63  }
0x59: {  	s29 =	rddreg [dreg:$0x17]  }
0x5a: {  	[spmem:s29] =	stream.linear.scatter [tilespmem:s17], [sflag:$0x1], $0x1400, $0x38;
	[tilespmem:$0x1EB80] =	vst v63  }
0x5b: {  	s30 =	rddreg [dreg:$0x18]  }
0x5c: {  	[spmem:s30] =	stream.linear.scatter [tilespmem:s17], [sflag:$0x1], $0x1400, $0x38;
	[tilespmem:$0x1EB80] =	vst v63  }
0x5d: {  	s31 =	rddreg [dreg:$0x19]  }
0x5e: {  	[spmem:s31] =	stream.linear.scatter [tilespmem:s17], [sflag:$0x1], $0x1400, $0x38;
	[tilespmem:$0x1EB80] =	vst v63  }
0x5f: {  	_ = 	snop  }
0x60: {  	[spmem:s12] =	stream.linear.scatter [tilespmem:s17], [sflag:$0x1], $0x1400, $0x38;
	[tilespmem:$0x1EB80] =	vst v63  }
0x61: {  	_ = 	snop  }
0x62: {  	[spmem:s13] =	stream.linear.scatter [tilespmem:s17], [sflag:$0x1], $0x1400, $0x38;
	[tilespmem:$0x1EB80] =	vst v63  }
0x63: {  	_ =	swait.ge [sflag:s18], $0x1400  }
0x64: {  	[sflag:s18] =	ssyncset.done $0x0  }
0x65: {  	[sflag:s18] =	ssyncadd.s32 $0xFFFFEC00  }
0x66: {  	_ =	swait.ge [sflag:s18], $0x1400  }
0x67: {  	[sflag:s18] =	ssyncset.done $0x0  }
0x68: {  	[sflag:s18] =	ssyncadd.s32 $0xFFFFEC00  }
0x69: {  	_ =	swait.ge [sflag:s18], $0x1400  }
0x6a: {  	[sflag:s18] =	ssyncset.done $0x0  }
0x6b: {  	[sflag:s18] =	ssyncadd.s32 $0xFFFFEC00  }
0x6c: {  	_ =	swait.ge [sflag:s18], $0x1400  }
0x6d: {  	[sflag:s18] =	ssyncset.done $0x0  }
0x6e: {  	[sflag:s18] =	ssyncadd.s32 $0xFFFFEC00  }
0x6f: {  	_ =	swait.ge [sflag:s18], $0x1400  }
0x70: {  	[sflag:s18] =	ssyncset.done $0x0  }
0x71: {  	[sflag:s18] =	ssyncadd.s32 $0xFFFFEC00  }
0x72: {  	_ =	swait.ge [sflag:s18], $0x1400  }
0x73: {  	[sflag:s18] =	ssyncset.done $0x0  }
0x74: {  	[sflag:s18] =	ssyncadd.s32 $0xFFFFEC00  }
0x75: {  	_ =	swait.ge [sflag:s18], $0x1400  }
0x76: {  	[sflag:s18] =	ssyncset.done $0x0  }
0x77: {  	[sflag:s18] =	ssyncadd.s32 $0xFFFFEC00  }
0x78: {  	_ =	swait.ge [sflag:s18], $0x1400  }
0x79: {  	[sflag:s18] =	ssyncset.done $0x0  }
0x7a: {  	[sflag:s18] =	ssyncadd.s32 $0xFFFFEC00  }
0x7b: {  	_ =	swait.ge [sflag:s18], $0x1400  }
0x7c: {  	[sflag:s18] =	ssyncset.done $0x0  }
0x7d: {  	[sflag:s18] =	ssyncadd.s32 $0xFFFFEC00  }
0x7e: {  	_ =	swait.ge [sflag:s18], $0x1400  }
0x7f: {  	[sflag:s18] =	ssyncset.done $0x0  }
0x80: {  	[sflag:s18] =	ssyncadd.s32 $0xFFFFEC00  }
0x81: {  	_ =	swait.ge [sflag:s18], $0x1400  }
0x82: {  	[sflag:s18] =	ssyncset.done $0x0  }
0x83: {  	[sflag:s18] =	ssyncadd.s32 $0xFFFFEC00  }
0x84: {  	_ =	swait.ge [sflag:s18], $0x1400  }
0x85: {  	[sflag:s18] =	ssyncset.done $0x0  }
0x86: {  	[sflag:s18] =	ssyncadd.s32 $0xFFFFEC00  }
0x87: {  	_ =	swait.ge [sflag:s18], $0x1400  }
0x88: {  	[sflag:s18] =	ssyncset.done $0x0  }
0x89: {  	[sflag:s18] =	ssyncadd.s32 $0xFFFFEC00  }
0x8a: {  	_ =	swait.ge [sflag:s18], $0x1400  }
0x8b: {  	[sflag:s18] =	ssyncset.done $0x0  }
0x8c: {  	[sflag:s18] =	ssyncadd.s32 $0xFFFFEC00  }
0x8d: {  	_ =	swait.ge [sflag:s18], $0x1400  }
0x8e: {  	[sflag:s18] =	ssyncset.done $0x0  }
0x8f: {  	[sflag:s18] =	ssyncadd.s32 $0xFFFFEC00  }
0x90: {  	_ =	swait.ge [sflag:s18], $0x1400  }
0x91: {  	[sflag:s18] =	ssyncset.done $0x0  }
0x92: {  	[sflag:s18] =	ssyncadd.s32 $0xFFFFEC00  }
0x93: {  	_ =	swait.ge [sflag:s18], $0x1400  }
0x94: {  	[sflag:s18] =	ssyncset.done $0x0  }
0x95: {  	[sflag:s18] =	ssyncadd.s32 $0xFFFFEC00  }
0x96: {  	_ =	swait.ge [sflag:s18], $0x1400  }
0x97: {  	[sflag:s18] =	ssyncset.done $0x0  }
0x98: {  	[sflag:s18] =	ssyncadd.s32 $0xFFFFEC00  }
0x99: {  	_ =	swait.ge [sflag:s18], $0x1400  }
0x9a: {  	[sflag:s18] =	ssyncset.done $0x0  }
0x9b: {  	[sflag:s18] =	ssyncadd.s32 $0xFFFFEC00  }
0x9c: {  	_ =	swait.ge [sflag:s18], $0x1400  }
0x9d: {  	[sflag:s18] =	ssyncset.done $0x0  }
0x9e: {  	[sflag:s18] =	ssyncadd.s32 $0xFFFFEC00  }
0x9f: {  	_ =	swait.ge [sflag:s18], $0x1400  }
0xa0: {  	[sflag:s18] =	ssyncset.done $0x0  }
0xa1: {  	[sflag:s18] =	ssyncadd.s32 $0xFFFFEC00  }
0xa2: {  	_ =	swait.ge [sflag:s18], $0x1400  }
0xa3: {  	[sflag:s18] =	ssyncset.done $0x0  }
0xa4: {  	[sflag:s18] =	ssyncadd.s32 $0xFFFFEC00  }
0xa5: {  	_ =	swait.ge [sflag:s18], $0x1400  }
0xa6: {  	[sflag:s18] =	ssyncset.done $0x0  }
0xa7: {  	[sflag:s18] =	ssyncadd.s32 $0xFFFFEC00  }
0xa8: {  	_ =	swait.ge [sflag:s18], $0x1400  }
0xa9: {  	[sflag:s18] =	ssyncset.done $0x0  }
0xaa: {  	[sflag:s18] =	ssyncadd.s32 $0xFFFFEC00  }
0xab: {  	_ =	swait.ge [sflag:s18], $0x1400  }
0xac: {  	[sflag:s18] =	ssyncset.done $0x0  }
0xad: {  	[sflag:s18] =	ssyncadd.s32 $0xFFFFEC00  }
.LBB2_5:
0xae: {  	[bflag:$0x0] =	sbarrier.arrive $0xFFFF  }
0xaf: {  	s0 =	simm.s32 @p0 $0x50;
	s10 =	simm.s32 @p0 $0x13880;
	s29 =	simm.s32 @p0 $0x18780  }
0xb0: {  	[tilespmem:s29], [sflag:$0x1] =	stream.indirect.gather @p0 [hbm4b:s1+s0], $0x80, s10, s0, $0xb8;
	[tilespmem:$0x1EB80] =	vst v63  }
0xb1: {  	s30 =	simm.s32 @p0 $0x1AF80;
	s10 =	simm.s32 @p0 $0x138D0  }
0xb2: {  	[tilespmem:s30], [sflag:$0x2] =	stream.indirect.gather @p0 [hbm4b:s1+s0], $0x80, s10, s0, $0xb8;
	[tilespmem:$0x1EB80] =	vst v63  }
0xb3: {  	s31 =	simm.s32 @!p0 $0x18780;
	s10 =	simm.s32 @!p0 $0x50;
	s30 =	simm.s32 @!p0 $0x13880  }
0xb4: {  	[tilespmem:s31], [sflag:$0x1] =	stream.indirect.gather @!p0 [hbm4b:s5+s10], $0x80, s30, s10, $0xb8;
	[tilespmem:$0x1EB80] =	vst v63  }
0xb5: {  	s11 =	simm.s32 @!p0 $0x1AF80;
	s30 =	simm.s32 @!p0 $0x138D0  }
0xb6: {  	[tilespmem:s11], [sflag:$0x2] =	stream.indirect.gather @!p0 [hbm4b:s5+s10], $0x80, s30, s10, $0xb8;
	[tilespmem:$0x1EB80] =	vst v63  }
0xb7: {  	_ =	swait.ge [sflag:s18], $0x2800  }
0xb8: {  	[sflag:s18] =	ssyncset.done $0x0  }
0xb9: {  	[sflag:s18] =	ssyncadd.s32 $0xFFFFD800  }
0xba: {  	[spmem:s3] =	stream.indirect.scatter.add.f32 [tilespmem:s20], [sflag:$0x3], $0x80, s16, s19, $0xb8;
	[tilespmem:$0x1EB80] =	vst v63  }
0xbb: {  	_ =	swait.ge [sflag:s21], $0x2800  }
0xbc: {  	[sflag:s21] =	ssyncset.done $0x0  }
0xbd: {  	s11 =	simm.s32 @p0 $0x13920;
	[sflag:s21] =	ssyncadd.s32 $0xFFFFD800  }
0xbe: {  	[tilespmem:s29], [sflag:$0x1] =	stream.indirect.gather @p0 [hbm4b:s1+s0], $0x80, s11, s0, $0xb8;
	[tilespmem:$0x1EB80] =	vst v63  }
0xbf: {  	s0 =	simm.s32 @!p0 $0x13920  }
0xc0: {  	[tilespmem:s31], [sflag:$0x1] =	stream.indirect.gather @!p0 [hbm4b:s5+s10], $0x80, s0, s10, $0xb8;
	[tilespmem:$0x1EB80] =	vst v63  }
0xc1: {  	_ =	swait.ge [sflag:s22], $0x2800  }
0xc2: {  	[sflag:s22] =	ssyncset.done $0x0  }
0xc3: {  	[sflag:s22] =	ssyncadd.s32 $0xFFFFD800  }
0xc4: {  	[spmem:s3] =	stream.indirect.scatter.add.f32 [tilespmem:s25], [sflag:$0x4], $0x80, s2, s19, $0xb8;
	[tilespmem:$0x1EB80] =	vst v63  }
0xc5: {  	_ =	swait.ge [sflag:s26], $0x2800  }
0xc6: {  	[sflag:s26] =	ssyncset.done $0x0  }
0xc7: {  	s10 =	simm.s32 $0x13970;
	[sflag:s26] =	ssyncadd.s32 $0xFFFFD800  }
0xc8: {  	[tilespmem:s25], [sflag:$0x2] =	stream.indirect.gather [hbm4b:s23+s19], $0x80, s10, s19, $0xb8;
	[tilespmem:$0x1EB80] =	vst v63  }
0xc9: {  	_ =	swait.ge [sflag:s18], $0x2800  }
0xca: {  	[sflag:s18] =	ssyncset.done $0x0  }
0xcb: {  	s11 =	simm.s32 $0x160A0;
	[sflag:s18] =	ssyncadd.s32 $0xFFFFD800  }
0xcc: {  	[spmem:s3] =	stream.indirect.scatter.add.f32 [tilespmem:s20], [sflag:$0x3], $0x80, s11, s19, $0xb8;
	[tilespmem:$0x1EB80] =	vst v63  }
0xcd: {  	_ =	swait.ge [sflag:s21], $0x2800  }
0xce: {  	[sflag:s21] =	ssyncset.done $0x0  }
0xcf: {  	s31 =	simm.s32 $0x139C0;
	[sflag:s21] =	ssyncadd.s32 $0xFFFFD800  }
0xd0: {  	[tilespmem:s20], [sflag:$0x1] =	stream.indirect.gather [hbm4b:s23+s19], $0x80, s31, s19, $0xb8;
	[tilespmem:$0x1EB80] =	vst v63  }
0xd1: {  	_ =	swait.ge [sflag:s22], $0x2800  }
0xd2: {  	[sflag:s22] =	ssyncset.done $0x0  }
0xd3: {  	s30 =	simm.s32 $0x160F0;
	s29 =	simm.s32 $0xFFFF6A00;
	[sflag:s22] =	ssyncadd.s32 $0xFFFFD800  }
.LBB2_6:
0xd4: {  	[spmem:s3] =	stream.indirect.scatter.add.f32 [tilespmem:s25], [sflag:$0x4], $0x80, s30, s19, $0xb8;
	[tilespmem:$0x1EB80] =	vst v63  }
0xd5: {  	s0 =	smov.u32 s29  }
0xd6: {  	p2 =	sne.s32 s29, $0xFFFFFD80;
	s29 =	sadd.s32 $0x280, s29;
	_ =	swait.ge [sflag:s26], $0x2800  }
0xd7: {  	s0 =	sshra.s32 s0, $0x2;
	[sflag:s26] =	ssyncset.done $0x0  }
0xd8: {  	s10 =	sadd.s32 $0x15F90, s0;
	[sflag:s26] =	ssyncadd.s32 $0xFFFFD800  }
0xd9: {  	[tilespmem:s25], [sflag:$0x2] =	stream.indirect.gather [hbm4b:s23+s19], $0x80, s10, s19, $0xb8;
	[tilespmem:$0x1EB80] =	vst v63  }
0xda: {  	_ =	swait.ge [sflag:s18], $0x2800  }
0xdb: {  	[sflag:s18] =	ssyncset.done $0x0  }
0xdc: {  	s10 =	sadd.s32 $0x186C0, s0;
	[sflag:s18] =	ssyncadd.s32 $0xFFFFD800  }
0xdd: {  	[spmem:s3] =	stream.indirect.scatter.add.f32 [tilespmem:s20], [sflag:$0x3], $0x80, s10, s19, $0xb8;
	[tilespmem:$0x1EB80] =	vst v63  }
0xde: {  	_ =	swait.ge [sflag:s21], $0x2800  }
0xdf: {  	[sflag:s21] =	ssyncset.done $0x0  }
.Ltmp2:
0xe0: {  	s10 =	sadd.s32 $0x15FE0, s0;
	[sflag:s21] =	ssyncadd.s32 $0xFFFFD800;
	(pc) =	sbr.rel @p2 .LBB2_6-.Ltmp2, $4  }
0xe1: {  	[tilespmem:s20], [sflag:$0x1] =	stream.indirect.gather [hbm4b:s23+s19], $0x80, s10, s19, $0xb8;
	[tilespmem:$0x1EB80] =	vst v63  }
0xe2: {  	_ =	swait.ge [sflag:s22], $0x2800  }
0xe3: {  	[sflag:s22] =	ssyncset.done $0x0  }
0xe4: {  	s30 =	sadd.s32 $0x18710, s0;
	[sflag:s22] =	ssyncadd.s32 $0xFFFFD800  }
0xe5: {  	[spmem:s3] =	stream.indirect.scatter.add.f32 [tilespmem:s25], [sflag:$0x4], $0x80, s30, s19, $0xb8;
	[tilespmem:$0x1EB80] =	vst v63  }
0xe6: {  	_ =	swait.ge [sflag:s18], $0x2800  }
0xe7: {  	[sflag:s18] =	ssyncset.done $0x0  }
0xe8: {  	[sflag:s18] =	ssyncadd.s32 $0xFFFFD800  }
0xe9: {  	[spmem:s3] =	stream.indirect.scatter.add.f32 [tilespmem:s20], [sflag:$0x3], $0x80, s14, s19, $0xb8;
	[tilespmem:$0x1EB80] =	vst v63  }
0xea: {  	_ =	swait.ge [sflag:s21], $0x2800  }
0xeb: {  	[sflag:s21] =	ssyncset.done $0x0  }
0xec: {  	[sflag:s21] =	ssyncadd.s32 $0xFFFFD800  }
0xed: {  	_ =	swait.ge [sflag:s26], $0x2800  }
0xee: {  	s0 =	stileid.u32;
	s10 =	sshrl.u32 @!p1 s8, $0x3;
	[sflag:s26] =	ssyncset.done $0x0  }
0xef: {  	s28 =	sadd.s32 $0x1, s28;
	s0 =	sshll.u32 @!p1 s0, $0x6;
	[sflag:s26] =	ssyncadd.s32 $0xFFFFD800  }
0xf0: {  	p2 =	sne.s32 s28, s9;
	s0 =	sor.u32 @!p1 $0x1C05, s0;
	[bflag:$0x0] =	sbarrier.arrive $0xFFFF  }
0xf1: {  	[hbm:s24], [sflag:s0] =	dma.local @!p1 [spmem:s10], $0x3E80  }
.Ltmp3:
0xf2: {  	_ = 	snop;
	(pc) =	sbr.rel @p2 .LBB2_1-.Ltmp3, $4  }
0xf3: {  	s0 =	simm.s32 @!p1 $0x5  }
0xf4: {  	_ =	swait.ge @!p1 [sflag:s0], $0x3E80  }
0xf5: {  	[sflag:s0] =	ssyncset.done @!p1 $0x0  }
0xf6: {  	[sflag:s0] =	ssyncadd.s32 @!p1 $0xFFFFC180  }
0xf7: {  	_ =	sfence.sel $0x180000  }
0xf8: {  	[bflag:$0x0] =	sbarrier.arrive $0xFFFF  }
0xf9: {  	_ =	strace $0x9000004A  }
0xfa: {  	s0 =	stileid.u32;
	[bflag:$0x2] =	sbarrier.arrive $0xFFFF  }
0xfb: {  	p0 =	sne.s32 s0, $0x0;
	s0 =	rddreg [dreg:$0x3]  }
0xfc: {  	s0 =	sadd.s32 @!p0 $0x100000, s0  }
0xfd: {  	[sflag:s0] =	ssyncadd.tile.s32 @!p0 $0x1;
	_ =	shalt  }
.Lfunc_end2:
_tile_overlayer_lowered:
.L_overlay_start_2:
0xfe: {  	(tag) =	ssettag $0x2  }
0xff: {  	s0 =	rddreg [dreg:$0x0];
	s2 =	stileid.u32  }
0x100: {  	s1 =	rddreg [dreg:$0x1];
	p0 =	sne.s32 s2, $0x0  }
0x101: {  	s3 =	rddreg [dreg:$0x2];
	[bflag:$0x3] =	sbarrier.arrive $0xFFFF;
	s2 =	simm.s32 @!p0 $0x1C05  }
0x102: {  	[timem:s3], [sflag:s2] =	dma.local @!p0 [hbm:s0], s1  }
0x103: {  	s0 =	simm.s32 @!p0 $0x5  }
0x104: {  	_ =	swait.ge @!p0 [sflag:s0], s1  }
0x105: {  	s1 =	ssub.s32 @!p0 $0x0, s1;
	[sflag:s0] =	ssyncset.done @!p0 $0x0  }
0x106: {  	[sflag:s0] =	ssyncadd.s32 @!p0 s1  }
0x107: {  	[bflag:$0x3] =	sbarrier.arrive $0xFFFF  }
0x108: {  	_ =	shalt  }

</sc_bundles>
